<compile_context>
chip_gen: v7x
topology: tpu7x:2x2x1
jax: 0.10.2.dev20260603
libtpu: 0.0.44.dev20260713+nightly
codegen_flags: <defaults>
</compile_context>

<pallas_src>
import functools

import jax
import jax.numpy as jnp
from jax import lax
from jax.experimental import pallas as pl
from jax.experimental.pallas import tpu as pltpu
from jax.experimental.pallas import tpu_sc as plsc

_CHUNKS = (128, 160, 160, 64)


def kernel(indices, logits):
    B, = indices.shape
    V, D = logits.shape
    info = plsc.get_sparse_core_info()
    NC, NS, L = info.num_cores, info.num_subcores, info.num_lanes
    NW = NC * NS
    b_per_w = B // NW
    assert sum(_CHUNKS) == b_per_w
    n_chunks = len(_CHUNKS)
    offs = [sum(_CHUNKS[:i]) for i in range(n_chunks)]
    mesh = plsc.VectorSubcoreMesh(core_axis_name="c", subcore_axis_name="s")

    @functools.partial(
        pl.kernel,
        mesh=mesh,
        out_type=jax.ShapeDtypeStruct((B, D), jnp.float32),
        scratch_types=[
            pltpu.VMEM((b_per_w,), jnp.int32),
        ] + [pltpu.VMEM((ch, D), jnp.float32) for ch in _CHUNKS]
          + [pltpu.SemaphoreType.DMA] * (2 * n_chunks),
    )
    def _run(idx_hbm, table_hbm, out_hbm, idx_v, *rest):
        bufs = rest[:n_chunks]
        gsems = rest[n_chunks:2 * n_chunks]
        wsems = rest[2 * n_chunks:3 * n_chunks]
        wid = lax.axis_index("s") * NC + lax.axis_index("c")
        base = wid * b_per_w
        pltpu.sync_copy(idx_hbm.at[pl.ds(base, b_per_w)], idx_v)

        gcopies = [
            pltpu.async_copy(
                table_hbm.at[idx_v.at[pl.ds(offs[g], _CHUNKS[g])]],
                bufs[g], gsems[g])
            for g in range(n_chunks)
        ]
        wcopies = [None] * n_chunks
        for g in range(n_chunks):
            gcopies[g].wait()
            buf = bufs[g]

            @plsc.parallel_loop(0, _CHUNKS[g], unroll=4)
            def _sigmoid_rows(r):
                for c in range(D // L):
                    x = buf[r, pl.ds(c * L, L)]
                    buf[r, pl.ds(c * L, L)] = 1.0 / (1.0 + jnp.exp(-x))

            wcopies[g] = pltpu.async_copy(
                buf, out_hbm.at[pl.ds(base + offs[g], _CHUNKS[g])], wsems[g])
        for g in range(n_chunks):
            wcopies[g].wait()

    return _run(indices, logits)

# --- scband reference (transcript-rebuilt; emitter-appended) ---
"""Pipeline reference for scband-label-estimator-8504035246187 (READ-ONLY COPY).

The authoritative reference and input builder live on the scoring server;
editing this copy changes nothing except your own understanding.
"""

import jax, jax.numpy as jnp
import numpy as np

NUM_EXAMPLES = 100000
NUM_CLASSES = 128
BATCH = 16384


def inverse_sigmoid(p):
    epsilon = 1e-05
    p = np.minimum(p, 1 - epsilon)
    p = np.maximum(p, epsilon)
    return np.log(p / (1 - p))


def setup_inputs(seed: int = 0) -> dict:
    key = jax.random.key(seed)
    k1, k2 = jax.random.split(key)
    # Parameter init faithful to LabelEstimator.__init__ with estimated_labels=None
    # and an all-zeros observed_label_matrix (no +1/-1 observations -> no overrides).
    w = 0.1
    q = float(inverse_sigmoid(0.5 + w))
    logits = q * (2.0 * jax.random.uniform(k1, (NUM_EXAMPLES, NUM_CLASSES), dtype=jnp.float32) - 1.0)
    indices = jax.random.randint(k2, (BATCH,), 0, NUM_EXAMPLES)
    return {"indices": indices, "logits": logits}


def reference(indices, logits):
    # idx_map is None, so no index remapping.
    x = jnp.take(logits, indices, axis=0)  # gather rows: logits[indices, :]
    x = jax.nn.sigmoid(x)
    return x

if __name__ == "__main__":
    import jax
    _d = setup_inputs()
    print(jax.jit(kernel)(*tuple(_d.values())))

</pallas_src>

<mosaic_0001>
#map = affine_map<(d0, d1) -> (0)>
#map1 = affine_map<(d0, d1) -> (0, 0)>
module attributes {stable_mosaic.version = 14 : i64} {
  func.func @_run(%arg0: i32, %arg1: i32, %arg2: memref<16384xi32, #tpu.memory_space<hbm>>, %arg3: memref<100000x128xf32, #tpu.memory_space<hbm>>, %arg4: memref<16384x128xf32, #tpu.memory_space<hbm>>, %arg5: memref<512xi32, #tpu.memory_space<vmem>>, %arg6: memref<128x128xf32, #tpu.memory_space<vmem>>, %arg7: memref<160x128xf32, #tpu.memory_space<vmem>>, %arg8: memref<160x128xf32, #tpu.memory_space<vmem>>, %arg9: memref<64x128xf32, #tpu.memory_space<vmem>>, %arg10: memref<!tpu.dma_semaphore, #tpu.memory_space<semaphore_mem>>, %arg11: memref<!tpu.dma_semaphore, #tpu.memory_space<semaphore_mem>>, %arg12: memref<!tpu.dma_semaphore, #tpu.memory_space<semaphore_mem>>, %arg13: memref<!tpu.dma_semaphore, #tpu.memory_space<semaphore_mem>>, %arg14: memref<!tpu.dma_semaphore, #tpu.memory_space<semaphore_mem>>, %arg15: memref<!tpu.dma_semaphore, #tpu.memory_space<semaphore_mem>>, %arg16: memref<!tpu.dma_semaphore, #tpu.memory_space<semaphore_mem>>, %arg17: memref<!tpu.dma_semaphore, #tpu.memory_space<semaphore_mem>>) attributes {dimension_semantics = [#tpu.dimension_semantics<core_parallel>, #tpu.dimension_semantics<subcore_parallel>], iteration_bounds = array<i64: 2, 16>, scalar_prefetch = 0 : i64, scratch_operands = 13 : i64, tpu.core_type = #tpu.core_type<sc_vector_subcore>, window_params = [{transform_indices = #map}, {transform_indices = #map1}, {transform_indices = #map1}]} {
    %mul3A = arith.constant 2 : i32
    %mul3A_0 = arith.muli %arg1, %mul3A : i32
    %add3A = arith.addi %mul3A_0, %arg0 : i32
    %mul3A_1 = arith.constant 512 : i32
    %mul3A_2 = arith.muli %add3A, %mul3A_1 : i32
    "tpu.region"() ({
      %run_scoped3A = tpu.sem_alloc : memref<!tpu.dma_semaphore, #tpu.memory_space<semaphore_mem>>
      %dma_start3A_92 = tpu.memref_slice %arg2[%mul3A_2] : memref<16384xi32, #tpu.memory_space<hbm>> -> memref<512xi32, #tpu.memory_space<hbm>>
      %dma_start3A_93 = tpu.memref_slice %arg2[%mul3A_2] : memref<16384xi32, #tpu.memory_space<hbm>> -> memref<512xi32, #tpu.memory_space<hbm>>
      tpu.enqueue_dma source(%dma_start3A_93 : memref<512xi32, #tpu.memory_space<hbm>>) target(%arg5 : memref<512xi32, #tpu.memory_space<vmem>>) target_semaphore(%run_scoped3A : memref<!tpu.dma_semaphore, #tpu.memory_space<semaphore_mem>>)
      %dma_wait3A_94 = tpu.memref_slice %arg2[%mul3A_2] : memref<16384xi32, #tpu.memory_space<hbm>> -> memref<512xi32, #tpu.memory_space<hbm>>
      %dma_wait3A_95 = tpu.memref_slice %arg2[%mul3A_2] : memref<16384xi32, #tpu.memory_space<hbm>> -> memref<512xi32, #tpu.memory_space<hbm>>
      tpu.wait_dma2 semaphore(%run_scoped3A : memref<!tpu.dma_semaphore, #tpu.memory_space<semaphore_mem>>) src(%dma_wait3A_95 : memref<512xi32, #tpu.memory_space<hbm>>) dst(%arg5 : memref<512xi32, #tpu.memory_space<vmem>>)
      tpu.yield
    }) : () -> ()
    %dma_start3A = arith.constant 0 : i32
    %dma_start3A_3 = tpu.memref_slice %arg5[%dma_start3A] : memref<512xi32, #tpu.memory_space<vmem>> -> memref<128xi32, #tpu.memory_space<vmem>>
    %dma_start3A_4 = arith.constant 0 : i32
    %dma_start3A_5 = arith.constant 0 : i32
    %dma_start3A_6 = tpu.memref_slice %arg3[%dma_start3A_4, %dma_start3A_5] : memref<100000x128xf32, #tpu.memory_space<hbm>> -> memref<100000x128xf32, #tpu.memory_space<hbm>>
    tpu.enqueue_indirect_dma source(%dma_start3A_6 : memref<100000x128xf32, #tpu.memory_space<hbm>>) target(%arg6 : memref<128x128xf32, #tpu.memory_space<vmem>>) offsets(%dma_start3A_3 : memref<128xi32, #tpu.memory_space<vmem>>) semaphore(%arg10 : memref<!tpu.dma_semaphore, #tpu.memory_space<semaphore_mem>>)
    %dma_start3A_7 = arith.constant 128 : i32
    %dma_start3A_8 = tpu.memref_slice %arg5[%dma_start3A_7] : memref<512xi32, #tpu.memory_space<vmem>> -> memref<160xi32, #tpu.memory_space<vmem>>
    %dma_start3A_9 = arith.constant 0 : i32
    %dma_start3A_10 = arith.constant 0 : i32
    %dma_start3A_11 = tpu.memref_slice %arg3[%dma_start3A_9, %dma_start3A_10] : memref<100000x128xf32, #tpu.memory_space<hbm>> -> memref<100000x128xf32, #tpu.memory_space<hbm>>
    tpu.enqueue_indirect_dma source(%dma_start3A_11 : memref<100000x128xf32, #tpu.memory_space<hbm>>) target(%arg7 : memref<160x128xf32, #tpu.memory_space<vmem>>) offsets(%dma_start3A_8 : memref<160xi32, #tpu.memory_space<vmem>>) semaphore(%arg11 : memref<!tpu.dma_semaphore, #tpu.memory_space<semaphore_mem>>)
    %dma_start3A_12 = arith.constant 288 : i32
    %dma_start3A_13 = tpu.memref_slice %arg5[%dma_start3A_12] : memref<512xi32, #tpu.memory_space<vmem>> -> memref<160xi32, #tpu.memory_space<vmem>>
    %dma_start3A_14 = arith.constant 0 : i32
    %dma_start3A_15 = arith.constant 0 : i32
    %dma_start3A_16 = tpu.memref_slice %arg3[%dma_start3A_14, %dma_start3A_15] : memref<100000x128xf32, #tpu.memory_space<hbm>> -> memref<100000x128xf32, #tpu.memory_space<hbm>>
    tpu.enqueue_indirect_dma source(%dma_start3A_16 : memref<100000x128xf32, #tpu.memory_space<hbm>>) target(%arg8 : memref<160x128xf32, #tpu.memory_space<vmem>>) offsets(%dma_start3A_13 : memref<160xi32, #tpu.memory_space<vmem>>) semaphore(%arg12 : memref<!tpu.dma_semaphore, #tpu.memory_space<semaphore_mem>>)
    %dma_start3A_17 = arith.constant 448 : i32
    %dma_start3A_18 = tpu.memref_slice %arg5[%dma_start3A_17] : memref<512xi32, #tpu.memory_space<vmem>> -> memref<64xi32, #tpu.memory_space<vmem>>
    %dma_start3A_19 = arith.constant 0 : i32
    %dma_start3A_20 = arith.constant 0 : i32
    %dma_start3A_21 = tpu.memref_slice %arg3[%dma_start3A_19, %dma_start3A_20] : memref<100000x128xf32, #tpu.memory_space<hbm>> -> memref<100000x128xf32, #tpu.memory_space<hbm>>
    tpu.enqueue_indirect_dma source(%dma_start3A_21 : memref<100000x128xf32, #tpu.memory_space<hbm>>) target(%arg9 : memref<64x128xf32, #tpu.memory_space<vmem>>) offsets(%dma_start3A_18 : memref<64xi32, #tpu.memory_space<vmem>>) semaphore(%arg13 : memref<!tpu.dma_semaphore, #tpu.memory_space<semaphore_mem>>)
    %dma_wait3A = arith.constant 0 : i32
    %dma_wait3A_22 = tpu.memref_slice %arg5[%dma_wait3A] : memref<512xi32, #tpu.memory_space<vmem>> -> memref<128xi32, #tpu.memory_space<vmem>>
    %dma_wait3A_23 = arith.constant 0 : i32
    %dma_wait3A_24 = arith.constant 0 : i32
    %dma_wait3A_25 = tpu.memref_slice %arg3[%dma_wait3A_23, %dma_wait3A_24] : memref<100000x128xf32, #tpu.memory_space<hbm>> -> memref<100000x128xf32, #tpu.memory_space<hbm>>
    tpu.wait_indirect_dma semaphore(%arg10 : memref<!tpu.dma_semaphore, #tpu.memory_space<semaphore_mem>>) src(%dma_wait3A_25 : memref<100000x128xf32, #tpu.memory_space<hbm>>) dst(%arg6 : memref<128x128xf32, #tpu.memory_space<vmem>>)
    %parallel_loop3A = arith.constant 0 : i32
    %parallel_loop3A_26 = arith.constant 128 : i32
    %parallel_loop3A_27 = arith.constant 1 : i32
    scf.for %parallel_loop3A_92 = %parallel_loop3A to %parallel_loop3A_26 step %parallel_loop3A_27  : i32 {
      %parallel_loop3A_93 = arith.index_cast %parallel_loop3A_92 : i32 to index
      %parallel_loop3A_94 = arith.constant 0 : index
      %parallel_loop3A_95 = tpu.vector_load %arg6[%parallel_loop3A_93, %parallel_loop3A_94] {strides = array<i32>} : memref<128x128xf32, #tpu.memory_space<vmem>>, vector<1x16xf32>,
      %parallel_loop3A_96 = vector.shape_cast %parallel_loop3A_95 : vector<1x16xf32> to vector<16xf32>
      %parallel_loop3A_97 = arith.constant 0.000000e+00 : f32
      %parallel_loop3A_98 = vector.broadcast %parallel_loop3A_97 : f32 to vector<16xf32>
      %parallel_loop3A_99 = arith.subf %parallel_loop3A_98, %parallel_loop3A_96 : vector<16xf32>
      %parallel_loop3A_100 = math.exp %parallel_loop3A_99 : vector<16xf32>
      %parallel_loop3A_101 = arith.constant 1.000000e+00 : f32
      %parallel_loop3A_102 = vector.broadcast %parallel_loop3A_101 : f32 to vector<16xf32>
      %parallel_loop3A_103 = arith.addf %parallel_loop3A_102, %parallel_loop3A_100 : vector<16xf32>
      %parallel_loop3A_104 = arith.constant 1.000000e+00 : f32
      %parallel_loop3A_105 = vector.broadcast %parallel_loop3A_104 : f32 to vector<16xf32>
      %parallel_loop3A_106 = arith.divf %parallel_loop3A_105, %parallel_loop3A_103 : vector<16xf32>
      %parallel_loop3A_107 = arith.index_cast %parallel_loop3A_92 : i32 to index
      %parallel_loop3A_108 = arith.constant 0 : index
      %parallel_loop3A_109 = tpu.vector_load %arg6[%parallel_loop3A_107, %parallel_loop3A_108] {strides = array<i32>} : memref<128x128xf32, #tpu.memory_space<vmem>>, vector<1x16xf32>,
      %parallel_loop3A_110 = vector.shape_cast %parallel_loop3A_109 : vector<1x16xf32> to vector<16xf32>
      %parallel_loop3A_111 = vector.shape_cast %parallel_loop3A_106 : vector<16xf32> to vector<1x16xf32>
      tpu.vector_store %arg6[%parallel_loop3A_107, %parallel_loop3A_108], %parallel_loop3A_111 {strides = array<i32>} : memref<128x128xf32, #tpu.memory_space<vmem>>, vector<1x16xf32>,
      %parallel_loop3A_112 = arith.index_cast %parallel_loop3A_92 : i32 to index
      %parallel_loop3A_113 = arith.constant 16 : index
      %parallel_loop3A_114 = tpu.vector_load %arg6[%parallel_loop3A_112, %parallel_loop3A_113] {strides = array<i32>} : memref<128x128xf32, #tpu.memory_space<vmem>>, vector<1x16xf32>,
      %parallel_loop3A_115 = vector.shape_cast %parallel_loop3A_114 : vector<1x16xf32> to vector<16xf32>
      %parallel_loop3A_116 = arith.constant 0.000000e+00 : f32
      %parallel_loop3A_117 = vector.broadcast %parallel_loop3A_116 : f32 to vector<16xf32>
      %parallel_loop3A_118 = arith.subf %parallel_loop3A_117, %parallel_loop3A_115 : vector<16xf32>
      %parallel_loop3A_119 = math.exp %parallel_loop3A_118 : vector<16xf32>
      %parallel_loop3A_120 = arith.constant 1.000000e+00 : f32
      %parallel_loop3A_121 = vector.broadcast %parallel_loop3A_120 : f32 to vector<16xf32>
      %parallel_loop3A_122 = arith.addf %parallel_loop3A_121, %parallel_loop3A_119 : vector<16xf32>
      %parallel_loop3A_123 = arith.constant 1.000000e+00 : f32
      %parallel_loop3A_124 = vector.broadcast %parallel_loop3A_123 : f32 to vector<16xf32>
      %parallel_loop3A_125 = arith.divf %parallel_loop3A_124, %parallel_loop3A_122 : vector<16xf32>
      %parallel_loop3A_126 = arith.index_cast %parallel_loop3A_92 : i32 to index
      %parallel_loop3A_127 = arith.constant 16 : index
      %parallel_loop3A_128 = tpu.vector_load %arg6[%parallel_loop3A_126, %parallel_loop3A_127] {strides = array<i32>} : memref<128x128xf32, #tpu.memory_space<vmem>>, vector<1x16xf32>,
      %parallel_loop3A_129 = vector.shape_cast %parallel_loop3A_128 : vector<1x16xf32> to vector<16xf32>
      %parallel_loop3A_130 = vector.shape_cast %parallel_loop3A_125 : vector<16xf32> to vector<1x16xf32>
      tpu.vector_store %arg6[%parallel_loop3A_126, %parallel_loop3A_127], %parallel_loop3A_130 {strides = array<i32>} : memref<128x128xf32, #tpu.memory_space<vmem>>, vector<1x16xf32>,
      %parallel_loop3A_131 = arith.index_cast %parallel_loop3A_92 : i32 to index
      %parallel_loop3A_132 = arith.constant 32 : index
      %parallel_loop3A_133 = tpu.vector_load %arg6[%parallel_loop3A_131, %parallel_loop3A_132] {strides = array<i32>} : memref<128x128xf32, #tpu.memory_space<vmem>>, vector<1x16xf32>,
      %parallel_loop3A_134 = vector.shape_cast %parallel_loop3A_133 : vector<1x16xf32> to vector<16xf32>
      %parallel_loop3A_135 = arith.constant 0.000000e+00 : f32
      %parallel_loop3A_136 = vector.broadcast %parallel_loop3A_135 : f32 to vector<16xf32>
      %parallel_loop3A_137 = arith.subf %parallel_loop3A_136, %parallel_loop3A_134 : vector<16xf32>
      %parallel_loop3A_138 = math.exp %parallel_loop3A_137 : vector<16xf32>
      %parallel_loop3A_139 = arith.constant 1.000000e+00 : f32
      %parallel_loop3A_140 = vector.broadcast %parallel_loop3A_139 : f32 to vector<16xf32>
      %parallel_loop3A_141 = arith.addf %parallel_loop3A_140, %parallel_loop3A_138 : vector<16xf32>
      %parallel_loop3A_142 = arith.constant 1.000000e+00 : f32
      %parallel_loop3A_143 = vector.broadcast %parallel_loop3A_142 : f32 to vector<16xf32>
      %parallel_loop3A_144 = arith.divf %parallel_loop3A_143, %parallel_loop3A_141 : vector<16xf32>
      %parallel_loop3A_145 = arith.index_cast %parallel_loop3A_92 : i32 to index
      %parallel_loop3A_146 = arith.constant 32 : index
      %parallel_loop3A_147 = tpu.vector_load %arg6[%parallel_loop3A_145, %parallel_loop3A_146] {strides = array<i32>} : memref<128x128xf32, #tpu.memory_space<vmem>>, vector<1x16xf32>,
      %parallel_loop3A_148 = vector.shape_cast %parallel_loop3A_147 : vector<1x16xf32> to vector<16xf32>
      %parallel_loop3A_149 = vector.shape_cast %parallel_loop3A_144 : vector<16xf32> to vector<1x16xf32>
      tpu.vector_store %arg6[%parallel_loop3A_145, %parallel_loop3A_146], %parallel_loop3A_149 {strides = array<i32>} : memref<128x128xf32, #tpu.memory_space<vmem>>, vector<1x16xf32>,
      %parallel_loop3A_150 = arith.index_cast %parallel_loop3A_92 : i32 to index
      %parallel_loop3A_151 = arith.constant 48 : index
      %parallel_loop3A_152 = tpu.vector_load %arg6[%parallel_loop3A_150, %parallel_loop3A_151] {strides = array<i32>} : memref<128x128xf32, #tpu.memory_space<vmem>>, vector<1x16xf32>,
      %parallel_loop3A_153 = vector.shape_cast %parallel_loop3A_152 : vector<1x16xf32> to vector<16xf32>
      %parallel_loop3A_154 = arith.constant 0.000000e+00 : f32
      %parallel_loop3A_155 = vector.broadcast %parallel_loop3A_154 : f32 to vector<16xf32>
      %parallel_loop3A_156 = arith.subf %parallel_loop3A_155, %parallel_loop3A_153 : vector<16xf32>
      %parallel_loop3A_157 = math.exp %parallel_loop3A_156 : vector<16xf32>
      %parallel_loop3A_158 = arith.constant 1.000000e+00 : f32
      %parallel_loop3A_159 = vector.broadcast %parallel_loop3A_158 : f32 to vector<16xf32>
      %parallel_loop3A_160 = arith.addf %parallel_loop3A_159, %parallel_loop3A_157 : vector<16xf32>
      %parallel_loop3A_161 = arith.constant 1.000000e+00 : f32
      %parallel_loop3A_162 = vector.broadcast %parallel_loop3A_161 : f32 to vector<16xf32>
      %parallel_loop3A_163 = arith.divf %parallel_loop3A_162, %parallel_loop3A_160 : vector<16xf32>
      %parallel_loop3A_164 = arith.index_cast %parallel_loop3A_92 : i32 to index
      %parallel_loop3A_165 = arith.constant 48 : index
      %parallel_loop3A_166 = tpu.vector_load %arg6[%parallel_loop3A_164, %parallel_loop3A_165] {strides = array<i32>} : memref<128x128xf32, #tpu.memory_space<vmem>>, vector<1x16xf32>,
      %parallel_loop3A_167 = vector.shape_cast %parallel_loop3A_166 : vector<1x16xf32> to vector<16xf32>
      %parallel_loop3A_168 = vector.shape_cast %parallel_loop3A_163 : vector<16xf32> to vector<1x16xf32>
      tpu.vector_store %arg6[%parallel_loop3A_164, %parallel_loop3A_165], %parallel_loop3A_168 {strides = array<i32>} : memref<128x128xf32, #tpu.memory_space<vmem>>, vector<1x16xf32>,
      %parallel_loop3A_169 = arith.index_cast %parallel_loop3A_92 : i32 to index
      %parallel_loop3A_170 = arith.constant 64 : index
      %parallel_loop3A_171 = tpu.vector_load %arg6[%parallel_loop3A_169, %parallel_loop3A_170] {strides = array<i32>} : memref<128x128xf32, #tpu.memory_space<vmem>>, vector<1x16xf32>,
      %parallel_loop3A_172 = vector.shape_cast %parallel_loop3A_171 : vector<1x16xf32> to vector<16xf32>
      %parallel_loop3A_173 = arith.constant 0.000000e+00 : f32
      %parallel_loop3A_174 = vector.broadcast %parallel_loop3A_173 : f32 to vector<16xf32>
      %parallel_loop3A_175 = arith.subf %parallel_loop3A_174, %parallel_loop3A_172 : vector<16xf32>
      %parallel_loop3A_176 = math.exp %parallel_loop3A_175 : vector<16xf32>
      %parallel_loop3A_177 = arith.constant 1.000000e+00 : f32
      %parallel_loop3A_178 = vector.broadcast %parallel_loop3A_177 : f32 to vector<16xf32>
      %parallel_loop3A_179 = arith.addf %parallel_loop3A_178, %parallel_loop3A_176 : vector<16xf32>
      %parallel_loop3A_180 = arith.constant 1.000000e+00 : f32
      %parallel_loop3A_181 = vector.broadcast %parallel_loop3A_180 : f32 to vector<16xf32>
      %parallel_loop3A_182 = arith.divf %parallel_loop3A_181, %parallel_loop3A_179 : vector<16xf32>
      %parallel_loop3A_183 = arith.index_cast %parallel_loop3A_92 : i32 to index
      %parallel_loop3A_184 = arith.constant 64 : index
      %parallel_loop3A_185 = tpu.vector_load %arg6[%parallel_loop3A_183, %parallel_loop3A_184] {strides = array<i32>} : memref<128x128xf32, #tpu.memory_space<vmem>>, vector<1x16xf32>,
      %parallel_loop3A_186 = vector.shape_cast %parallel_loop3A_185 : vector<1x16xf32> to vector<16xf32>
      %parallel_loop3A_187 = vector.shape_cast %parallel_loop3A_182 : vector<16xf32> to vector<1x16xf32>
      tpu.vector_store %arg6[%parallel_loop3A_183, %parallel_loop3A_184], %parallel_loop3A_187 {strides = array<i32>} : memref<128x128xf32, #tpu.memory_space<vmem>>, vector<1x16xf32>,
      %parallel_loop3A_188 = arith.index_cast %parallel_loop3A_92 : i32 to index
      %parallel_loop3A_189 = arith.constant 80 : index
      %parallel_loop3A_190 = tpu.vector_load %arg6[%parallel_loop3A_188, %parallel_loop3A_189] {strides = array<i32>} : memref<128x128xf32, #tpu.memory_space<vmem>>, vector<1x16xf32>,
      %parallel_loop3A_191 = vector.shape_cast %parallel_loop3A_190 : vector<1x16xf32> to vector<16xf32>
      %parallel_loop3A_192 = arith.constant 0.000000e+00 : f32
      %parallel_loop3A_193 = vector.broadcast %parallel_loop3A_192 : f32 to vector<16xf32>
      %parallel_loop3A_194 = arith.subf %parallel_loop3A_193, %parallel_loop3A_191 : vector<16xf32>
      %parallel_loop3A_195 = math.exp %parallel_loop3A_194 : vector<16xf32>
      %parallel_loop3A_196 = arith.constant 1.000000e+00 : f32
      %parallel_loop3A_197 = vector.broadcast %parallel_loop3A_196 : f32 to vector<16xf32>
      %parallel_loop3A_198 = arith.addf %parallel_loop3A_197, %parallel_loop3A_195 : vector<16xf32>
      %parallel_loop3A_199 = arith.constant 1.000000e+00 : f32
      %parallel_loop3A_200 = vector.broadcast %parallel_loop3A_199 : f32 to vector<16xf32>
      %parallel_loop3A_201 = arith.divf %parallel_loop3A_200, %parallel_loop3A_198 : vector<16xf32>
      %parallel_loop3A_202 = arith.index_cast %parallel_loop3A_92 : i32 to index
      %parallel_loop3A_203 = arith.constant 80 : index
      %parallel_loop3A_204 = tpu.vector_load %arg6[%parallel_loop3A_202, %parallel_loop3A_203] {strides = array<i32>} : memref<128x128xf32, #tpu.memory_space<vmem>>, vector<1x16xf32>,
      %parallel_loop3A_205 = vector.shape_cast %parallel_loop3A_204 : vector<1x16xf32> to vector<16xf32>
      %parallel_loop3A_206 = vector.shape_cast %parallel_loop3A_201 : vector<16xf32> to vector<1x16xf32>
      tpu.vector_store %arg6[%parallel_loop3A_202, %parallel_loop3A_203], %parallel_loop3A_206 {strides = array<i32>} : memref<128x128xf32, #tpu.memory_space<vmem>>, vector<1x16xf32>,
      %parallel_loop3A_207 = arith.index_cast %parallel_loop3A_92 : i32 to index
      %parallel_loop3A_208 = arith.constant 96 : index
      %parallel_loop3A_209 = tpu.vector_load %arg6[%parallel_loop3A_207, %parallel_loop3A_208] {strides = array<i32>} : memref<128x128xf32, #tpu.memory_space<vmem>>, vector<1x16xf32>,
      %parallel_loop3A_210 = vector.shape_cast %parallel_loop3A_209 : vector<1x16xf32> to vector<16xf32>
      %parallel_loop3A_211 = arith.constant 0.000000e+00 : f32
      %parallel_loop3A_212 = vector.broadcast %parallel_loop3A_211 : f32 to vector<16xf32>
      %parallel_loop3A_213 = arith.subf %parallel_loop3A_212, %parallel_loop3A_210 : vector<16xf32>
      %parallel_loop3A_214 = math.exp %parallel_loop3A_213 : vector<16xf32>
      %parallel_loop3A_215 = arith.constant 1.000000e+00 : f32
      %parallel_loop3A_216 = vector.broadcast %parallel_loop3A_215 : f32 to vector<16xf32>
      %parallel_loop3A_217 = arith.addf %parallel_loop3A_216, %parallel_loop3A_214 : vector<16xf32>
      %parallel_loop3A_218 = arith.constant 1.000000e+00 : f32
      %parallel_loop3A_219 = vector.broadcast %parallel_loop3A_218 : f32 to vector<16xf32>
      %parallel_loop3A_220 = arith.divf %parallel_loop3A_219, %parallel_loop3A_217 : vector<16xf32>
      %parallel_loop3A_221 = arith.index_cast %parallel_loop3A_92 : i32 to index
      %parallel_loop3A_222 = arith.constant 96 : index
      %parallel_loop3A_223 = tpu.vector_load %arg6[%parallel_loop3A_221, %parallel_loop3A_222] {strides = array<i32>} : memref<128x128xf32, #tpu.memory_space<vmem>>, vector<1x16xf32>,
      %parallel_loop3A_224 = vector.shape_cast %parallel_loop3A_223 : vector<1x16xf32> to vector<16xf32>
      %parallel_loop3A_225 = vector.shape_cast %parallel_loop3A_220 : vector<16xf32> to vector<1x16xf32>
      tpu.vector_store %arg6[%parallel_loop3A_221, %parallel_loop3A_222], %parallel_loop3A_225 {strides = array<i32>} : memref<128x128xf32, #tpu.memory_space<vmem>>, vector<1x16xf32>,
      %parallel_loop3A_226 = arith.index_cast %parallel_loop3A_92 : i32 to index
      %parallel_loop3A_227 = arith.constant 112 : index
      %parallel_loop3A_228 = tpu.vector_load %arg6[%parallel_loop3A_226, %parallel_loop3A_227] {strides = array<i32>} : memref<128x128xf32, #tpu.memory_space<vmem>>, vector<1x16xf32>,
      %parallel_loop3A_229 = vector.shape_cast %parallel_loop3A_228 : vector<1x16xf32> to vector<16xf32>
      %parallel_loop3A_230 = arith.constant 0.000000e+00 : f32
      %parallel_loop3A_231 = vector.broadcast %parallel_loop3A_230 : f32 to vector<16xf32>
      %parallel_loop3A_232 = arith.subf %parallel_loop3A_231, %parallel_loop3A_229 : vector<16xf32>
      %parallel_loop3A_233 = math.exp %parallel_loop3A_232 : vector<16xf32>
      %parallel_loop3A_234 = arith.constant 1.000000e+00 : f32
      %parallel_loop3A_235 = vector.broadcast %parallel_loop3A_234 : f32 to vector<16xf32>
      %parallel_loop3A_236 = arith.addf %parallel_loop3A_235, %parallel_loop3A_233 : vector<16xf32>
      %parallel_loop3A_237 = arith.constant 1.000000e+00 : f32
      %parallel_loop3A_238 = vector.broadcast %parallel_loop3A_237 : f32 to vector<16xf32>
      %parallel_loop3A_239 = arith.divf %parallel_loop3A_238, %parallel_loop3A_236 : vector<16xf32>
      %parallel_loop3A_240 = arith.index_cast %parallel_loop3A_92 : i32 to index
      %parallel_loop3A_241 = arith.constant 112 : index
      %parallel_loop3A_242 = tpu.vector_load %arg6[%parallel_loop3A_240, %parallel_loop3A_241] {strides = array<i32>} : memref<128x128xf32, #tpu.memory_space<vmem>>, vector<1x16xf32>,
      %parallel_loop3A_243 = vector.shape_cast %parallel_loop3A_242 : vector<1x16xf32> to vector<16xf32>
      %parallel_loop3A_244 = vector.shape_cast %parallel_loop3A_239 : vector<16xf32> to vector<1x16xf32>
      tpu.vector_store %arg6[%parallel_loop3A_240, %parallel_loop3A_241], %parallel_loop3A_244 {strides = array<i32>} : memref<128x128xf32, #tpu.memory_space<vmem>>, vector<1x16xf32>,
    } {sc.loop_unroll_factor = 4 : i64, sc.parallel_access}
    %add3A_28 = arith.constant 0 : i32
    %add3A_29 = arith.addi %mul3A_2, %add3A_28 : i32
    %dma_start3A_30 = arith.constant 0 : i32
    %dma_start3A_31 = tpu.memref_slice %arg4[%add3A_29, %dma_start3A_30] : memref<16384x128xf32, #tpu.memory_space<hbm>> -> memref<128x128xf32, #tpu.memory_space<hbm>>
    %dma_start3A_32 = arith.constant 0 : i32
    %dma_start3A_33 = tpu.memref_slice %arg4[%add3A_29, %dma_start3A_32] : memref<16384x128xf32, #tpu.memory_space<hbm>> -> memref<128x128xf32, #tpu.memory_space<hbm>>
    tpu.enqueue_dma source(%arg6 : memref<128x128xf32, #tpu.memory_space<vmem>>) target(%dma_start3A_33 : memref<128x128xf32, #tpu.memory_space<hbm>>) target_semaphore(%arg14 : memref<!tpu.dma_semaphore, #tpu.memory_space<semaphore_mem>>)
    %dma_wait3A_34 = arith.constant 128 : i32
    %dma_wait3A_35 = tpu.memref_slice %arg5[%dma_wait3A_34] : memref<512xi32, #tpu.memory_space<vmem>> -> memref<160xi32, #tpu.memory_space<vmem>>
    %dma_wait3A_36 = arith.constant 0 : i32
    %dma_wait3A_37 = arith.constant 0 : i32
    %dma_wait3A_38 = tpu.memref_slice %arg3[%dma_wait3A_36, %dma_wait3A_37] : memref<100000x128xf32, #tpu.memory_space<hbm>> -> memref<100000x128xf32, #tpu.memory_space<hbm>>
    tpu.wait_indirect_dma semaphore(%arg11 : memref<!tpu.dma_semaphore, #tpu.memory_space<semaphore_mem>>) src(%dma_wait3A_38 : memref<100000x128xf32, #tpu.memory_space<hbm>>) dst(%arg7 : memref<160x128xf32, #tpu.memory_space<vmem>>)
    %parallel_loop3A_39 = arith.constant 0 : i32
    %parallel_loop3A_40 = arith.constant 160 : i32
    %parallel_loop3A_41 = arith.constant 1 : i32
    scf.for %parallel_loop3A_92 = %parallel_loop3A_39 to %parallel_loop3A_40 step %parallel_loop3A_41  : i32 {
      %parallel_loop3A_93 = arith.index_cast %parallel_loop3A_92 : i32 to index
      %parallel_loop3A_94 = arith.constant 0 : index
      %parallel_loop3A_95 = tpu.vector_load %arg7[%parallel_loop3A_93, %parallel_loop3A_94] {strides = array<i32>} : memref<160x128xf32, #tpu.memory_space<vmem>>, vector<1x16xf32>,
      %parallel_loop3A_96 = vector.shape_cast %parallel_loop3A_95 : vector<1x16xf32> to vector<16xf32>
      %parallel_loop3A_97 = arith.constant 0.000000e+00 : f32
      %parallel_loop3A_98 = vector.broadcast %parallel_loop3A_97 : f32 to vector<16xf32>
      %parallel_loop3A_99 = arith.subf %parallel_loop3A_98, %parallel_loop3A_96 : vector<16xf32>
      %parallel_loop3A_100 = math.exp %parallel_loop3A_99 : vector<16xf32>
      %parallel_loop3A_101 = arith.constant 1.000000e+00 : f32
      %parallel_loop3A_102 = vector.broadcast %parallel_loop3A_101 : f32 to vector<16xf32>
      %parallel_loop3A_103 = arith.addf %parallel_loop3A_102, %parallel_loop3A_100 : vector<16xf32>
      %parallel_loop3A_104 = arith.constant 1.000000e+00 : f32
      %parallel_loop3A_105 = vector.broadcast %parallel_loop3A_104 : f32 to vector<16xf32>
      %parallel_loop3A_106 = arith.divf %parallel_loop3A_105, %parallel_loop3A_103 : vector<16xf32>
      %parallel_loop3A_107 = arith.index_cast %parallel_loop3A_92 : i32 to index
      %parallel_loop3A_108 = arith.constant 0 : index
      %parallel_loop3A_109 = tpu.vector_load %arg7[%parallel_loop3A_107, %parallel_loop3A_108] {strides = array<i32>} : memref<160x128xf32, #tpu.memory_space<vmem>>, vector<1x16xf32>,
      %parallel_loop3A_110 = vector.shape_cast %parallel_loop3A_109 : vector<1x16xf32> to vector<16xf32>
      %parallel_loop3A_111 = vector.shape_cast %parallel_loop3A_106 : vector<16xf32> to vector<1x16xf32>
      tpu.vector_store %arg7[%parallel_loop3A_107, %parallel_loop3A_108], %parallel_loop3A_111 {strides = array<i32>} : memref<160x128xf32, #tpu.memory_space<vmem>>, vector<1x16xf32>,
      %parallel_loop3A_112 = arith.index_cast %parallel_loop3A_92 : i32 to index
      %parallel_loop3A_113 = arith.constant 16 : index
      %parallel_loop3A_114 = tpu.vector_load %arg7[%parallel_loop3A_112, %parallel_loop3A_113] {strides = array<i32>} : memref<160x128xf32, #tpu.memory_space<vmem>>, vector<1x16xf32>,
      %parallel_loop3A_115 = vector.shape_cast %parallel_loop3A_114 : vector<1x16xf32> to vector<16xf32>
      %parallel_loop3A_116 = arith.constant 0.000000e+00 : f32
      %parallel_loop3A_117 = vector.broadcast %parallel_loop3A_116 : f32 to vector<16xf32>
      %parallel_loop3A_118 = arith.subf %parallel_loop3A_117, %parallel_loop3A_115 : vector<16xf32>
      %parallel_loop3A_119 = math.exp %parallel_loop3A_118 : vector<16xf32>
      %parallel_loop3A_120 = arith.constant 1.000000e+00 : f32
      %parallel_loop3A_121 = vector.broadcast %parallel_loop3A_120 : f32 to vector<16xf32>
      %parallel_loop3A_122 = arith.addf %parallel_loop3A_121, %parallel_loop3A_119 : vector<16xf32>
      %parallel_loop3A_123 = arith.constant 1.000000e+00 : f32
      %parallel_loop3A_124 = vector.broadcast %parallel_loop3A_123 : f32 to vector<16xf32>
      %parallel_loop3A_125 = arith.divf %parallel_loop3A_124, %parallel_loop3A_122 : vector<16xf32>
      %parallel_loop3A_126 = arith.index_cast %parallel_loop3A_92 : i32 to index
      %parallel_loop3A_127 = arith.constant 16 : index
      %parallel_loop3A_128 = tpu.vector_load %arg7[%parallel_loop3A_126, %parallel_loop3A_127] {strides = array<i32>} : memref<160x128xf32, #tpu.memory_space<vmem>>, vector<1x16xf32>,
      %parallel_loop3A_129 = vector.shape_cast %parallel_loop3A_128 : vector<1x16xf32> to vector<16xf32>
      %parallel_loop3A_130 = vector.shape_cast %parallel_loop3A_125 : vector<16xf32> to vector<1x16xf32>
      tpu.vector_store %arg7[%parallel_loop3A_126, %parallel_loop3A_127], %parallel_loop3A_130 {strides = array<i32>} : memref<160x128xf32, #tpu.memory_space<vmem>>, vector<1x16xf32>,
      %parallel_loop3A_131 = arith.index_cast %parallel_loop3A_92 : i32 to index
      %parallel_loop3A_132 = arith.constant 32 : index
      %parallel_loop3A_133 = tpu.vector_load %arg7[%parallel_loop3A_131, %parallel_loop3A_132] {strides = array<i32>} : memref<160x128xf32, #tpu.memory_space<vmem>>, vector<1x16xf32>,
      %parallel_loop3A_134 = vector.shape_cast %parallel_loop3A_133 : vector<1x16xf32> to vector<16xf32>
      %parallel_loop3A_135 = arith.constant 0.000000e+00 : f32
      %parallel_loop3A_136 = vector.broadcast %parallel_loop3A_135 : f32 to vector<16xf32>
      %parallel_loop3A_137 = arith.subf %parallel_loop3A_136, %parallel_loop3A_134 : vector<16xf32>
      %parallel_loop3A_138 = math.exp %parallel_loop3A_137 : vector<16xf32>
      %parallel_loop3A_139 = arith.constant 1.000000e+00 : f32
      %parallel_loop3A_140 = vector.broadcast %parallel_loop3A_139 : f32 to vector<16xf32>
      %parallel_loop3A_141 = arith.addf %parallel_loop3A_140, %parallel_loop3A_138 : vector<16xf32>
      %parallel_loop3A_142 = arith.constant 1.000000e+00 : f32
      %parallel_loop3A_143 = vector.broadcast %parallel_loop3A_142 : f32 to vector<16xf32>
      %parallel_loop3A_144 = arith.divf %parallel_loop3A_143, %parallel_loop3A_141 : vector<16xf32>
      %parallel_loop3A_145 = arith.index_cast %parallel_loop3A_92 : i32 to index
      %parallel_loop3A_146 = arith.constant 32 : index
      %parallel_loop3A_147 = tpu.vector_load %arg7[%parallel_loop3A_145, %parallel_loop3A_146] {strides = array<i32>} : memref<160x128xf32, #tpu.memory_space<vmem>>, vector<1x16xf32>,
      %parallel_loop3A_148 = vector.shape_cast %parallel_loop3A_147 : vector<1x16xf32> to vector<16xf32>
      %parallel_loop3A_149 = vector.shape_cast %parallel_loop3A_144 : vector<16xf32> to vector<1x16xf32>
      tpu.vector_store %arg7[%parallel_loop3A_145, %parallel_loop3A_146], %parallel_loop3A_149 {strides = array<i32>} : memref<160x128xf32, #tpu.memory_space<vmem>>, vector<1x16xf32>,
      %parallel_loop3A_150 = arith.index_cast %parallel_loop3A_92 : i32 to index
      %parallel_loop3A_151 = arith.constant 48 : index
      %parallel_loop3A_152 = tpu.vector_load %arg7[%parallel_loop3A_150, %parallel_loop3A_151] {strides = array<i32>} : memref<160x128xf32, #tpu.memory_space<vmem>>, vector<1x16xf32>,
      %parallel_loop3A_153 = vector.shape_cast %parallel_loop3A_152 : vector<1x16xf32> to vector<16xf32>
      %parallel_loop3A_154 = arith.constant 0.000000e+00 : f32
      %parallel_loop3A_155 = vector.broadcast %parallel_loop3A_154 : f32 to vector<16xf32>
      %parallel_loop3A_156 = arith.subf %parallel_loop3A_155, %parallel_loop3A_153 : vector<16xf32>
      %parallel_loop3A_157 = math.exp %parallel_loop3A_156 : vector<16xf32>
      %parallel_loop3A_158 = arith.constant 1.000000e+00 : f32
      %parallel_loop3A_159 = vector.broadcast %parallel_loop3A_158 : f32 to vector<16xf32>
      %parallel_loop3A_160 = arith.addf %parallel_loop3A_159, %parallel_loop3A_157 : vector<16xf32>
      %parallel_loop3A_161 = arith.constant 1.000000e+00 : f32
      %parallel_loop3A_162 = vector.broadcast %parallel_loop3A_161 : f32 to vector<16xf32>
      %parallel_loop3A_163 = arith.divf %parallel_loop3A_162, %parallel_loop3A_160 : vector<16xf32>
      %parallel_loop3A_164 = arith.index_cast %parallel_loop3A_92 : i32 to index
      %parallel_loop3A_165 = arith.constant 48 : index
      %parallel_loop3A_166 = tpu.vector_load %arg7[%parallel_loop3A_164, %parallel_loop3A_165] {strides = array<i32>} : memref<160x128xf32, #tpu.memory_space<vmem>>, vector<1x16xf32>,
      %parallel_loop3A_167 = vector.shape_cast %parallel_loop3A_166 : vector<1x16xf32> to vector<16xf32>
      %parallel_loop3A_168 = vector.shape_cast %parallel_loop3A_163 : vector<16xf32> to vector<1x16xf32>
      tpu.vector_store %arg7[%parallel_loop3A_164, %parallel_loop3A_165], %parallel_loop3A_168 {strides = array<i32>} : memref<160x128xf32, #tpu.memory_space<vmem>>, vector<1x16xf32>,
      %parallel_loop3A_169 = arith.index_cast %parallel_loop3A_92 : i32 to index
      %parallel_loop3A_170 = arith.constant 64 : index
      %parallel_loop3A_171 = tpu.vector_load %arg7[%parallel_loop3A_169, %parallel_loop3A_170] {strides = array<i32>} : memref<160x128xf32, #tpu.memory_space<vmem>>, vector<1x16xf32>,
      %parallel_loop3A_172 = vector.shape_cast %parallel_loop3A_171 : vector<1x16xf32> to vector<16xf32>
      %parallel_loop3A_173 = arith.constant 0.000000e+00 : f32
      %parallel_loop3A_174 = vector.broadcast %parallel_loop3A_173 : f32 to vector<16xf32>
      %parallel_loop3A_175 = arith.subf %parallel_loop3A_174, %parallel_loop3A_172 : vector<16xf32>
      %parallel_loop3A_176 = math.exp %parallel_loop3A_175 : vector<16xf32>
      %parallel_loop3A_177 = arith.constant 1.000000e+00 : f32
      %parallel_loop3A_178 = vector.broadcast %parallel_loop3A_177 : f32 to vector<16xf32>
      %parallel_loop3A_179 = arith.addf %parallel_loop3A_178, %parallel_loop3A_176 : vector<16xf32>
      %parallel_loop3A_180 = arith.constant 1.000000e+00 : f32
      %parallel_loop3A_181 = vector.broadcast %parallel_loop3A_180 : f32 to vector<16xf32>
      %parallel_loop3A_182 = arith.divf %parallel_loop3A_181, %parallel_loop3A_179 : vector<16xf32>
      %parallel_loop3A_183 = arith.index_cast %parallel_loop3A_92 : i32 to index
      %parallel_loop3A_184 = arith.constant 64 : index
      %parallel_loop3A_185 = tpu.vector_load %arg7[%parallel_loop3A_183, %parallel_loop3A_184] {strides = array<i32>} : memref<160x128xf32, #tpu.memory_space<vmem>>, vector<1x16xf32>,
      %parallel_loop3A_186 = vector.shape_cast %parallel_loop3A_185 : vector<1x16xf32> to vector<16xf32>
      %parallel_loop3A_187 = vector.shape_cast %parallel_loop3A_182 : vector<16xf32> to vector<1x16xf32>
      tpu.vector_store %arg7[%parallel_loop3A_183, %parallel_loop3A_184], %parallel_loop3A_187 {strides = array<i32>} : memref<160x128xf32, #tpu.memory_space<vmem>>, vector<1x16xf32>,
      %parallel_loop3A_188 = arith.index_cast %parallel_loop3A_92 : i32 to index
      %parallel_loop3A_189 = arith.constant 80 : index
      %parallel_loop3A_190 = tpu.vector_load %arg7[%parallel_loop3A_188, %parallel_loop3A_189] {strides = array<i32>} : memref<160x128xf32, #tpu.memory_space<vmem>>, vector<1x16xf32>,
      %parallel_loop3A_191 = vector.shape_cast %parallel_loop3A_190 : vector<1x16xf32> to vector<16xf32>
      %parallel_loop3A_192 = arith.constant 0.000000e+00 : f32
      %parallel_loop3A_193 = vector.broadcast %parallel_loop3A_192 : f32 to vector<16xf32>
      %parallel_loop3A_194 = arith.subf %parallel_loop3A_193, %parallel_loop3A_191 : vector<16xf32>
      %parallel_loop3A_195 = math.exp %parallel_loop3A_194 : vector<16xf32>
      %parallel_loop3A_196 = arith.constant 1.000000e+00 : f32
      %parallel_loop3A_197 = vector.broadcast %parallel_loop3A_196 : f32 to vector<16xf32>
      %parallel_loop3A_198 = arith.addf %parallel_loop3A_197, %parallel_loop3A_195 : vector<16xf32>
      %parallel_loop3A_199 = arith.constant 1.000000e+00 : f32
      %parallel_loop3A_200 = vector.broadcast %parallel_loop3A_199 : f32 to vector<16xf32>
      %parallel_loop3A_201 = arith.divf %parallel_loop3A_200, %parallel_loop3A_198 : vector<16xf32>
      %parallel_loop3A_202 = arith.index_cast %parallel_loop3A_92 : i32 to index
      %parallel_loop3A_203 = arith.constant 80 : index
      %parallel_loop3A_204 = tpu.vector_load %arg7[%parallel_loop3A_202, %parallel_loop3A_203] {strides = array<i32>} : memref<160x128xf32, #tpu.memory_space<vmem>>, vector<1x16xf32>,
      %parallel_loop3A_205 = vector.shape_cast %parallel_loop3A_204 : vector<1x16xf32> to vector<16xf32>
      %parallel_loop3A_206 = vector.shape_cast %parallel_loop3A_201 : vector<16xf32> to vector<1x16xf32>
      tpu.vector_store %arg7[%parallel_loop3A_202, %parallel_loop3A_203], %parallel_loop3A_206 {strides = array<i32>} : memref<160x128xf32, #tpu.memory_space<vmem>>, vector<1x16xf32>,
      %parallel_loop3A_207 = arith.index_cast %parallel_loop3A_92 : i32 to index
      %parallel_loop3A_208 = arith.constant 96 : index
      %parallel_loop3A_209 = tpu.vector_load %arg7[%parallel_loop3A_207, %parallel_loop3A_208] {strides = array<i32>} : memref<160x128xf32, #tpu.memory_space<vmem>>, vector<1x16xf32>,
      %parallel_loop3A_210 = vector.shape_cast %parallel_loop3A_209 : vector<1x16xf32> to vector<16xf32>
      %parallel_loop3A_211 = arith.constant 0.000000e+00 : f32
      %parallel_loop3A_212 = vector.broadcast %parallel_loop3A_211 : f32 to vector<16xf32>
      %parallel_loop3A_213 = arith.subf %parallel_loop3A_212, %parallel_loop3A_210 : vector<16xf32>
      %parallel_loop3A_214 = math.exp %parallel_loop3A_213 : vector<16xf32>
      %parallel_loop3A_215 = arith.constant 1.000000e+00 : f32
      %parallel_loop3A_216 = vector.broadcast %parallel_loop3A_215 : f32 to vector<16xf32>
      %parallel_loop3A_217 = arith.addf %parallel_loop3A_216, %parallel_loop3A_214 : vector<16xf32>
      %parallel_loop3A_218 = arith.constant 1.000000e+00 : f32
      %parallel_loop3A_219 = vector.broadcast %parallel_loop3A_218 : f32 to vector<16xf32>
      %parallel_loop3A_220 = arith.divf %parallel_loop3A_219, %parallel_loop3A_217 : vector<16xf32>
      %parallel_loop3A_221 = arith.index_cast %parallel_loop3A_92 : i32 to index
      %parallel_loop3A_222 = arith.constant 96 : index
      %parallel_loop3A_223 = tpu.vector_load %arg7[%parallel_loop3A_221, %parallel_loop3A_222] {strides = array<i32>} : memref<160x128xf32, #tpu.memory_space<vmem>>, vector<1x16xf32>,
      %parallel_loop3A_224 = vector.shape_cast %parallel_loop3A_223 : vector<1x16xf32> to vector<16xf32>
      %parallel_loop3A_225 = vector.shape_cast %parallel_loop3A_220 : vector<16xf32> to vector<1x16xf32>
      tpu.vector_store %arg7[%parallel_loop3A_221, %parallel_loop3A_222], %parallel_loop3A_225 {strides = array<i32>} : memref<160x128xf32, #tpu.memory_space<vmem>>, vector<1x16xf32>,
      %parallel_loop3A_226 = arith.index_cast %parallel_loop3A_92 : i32 to index
      %parallel_loop3A_227 = arith.constant 112 : index
      %parallel_loop3A_228 = tpu.vector_load %arg7[%parallel_loop3A_226, %parallel_loop3A_227] {strides = array<i32>} : memref<160x128xf32, #tpu.memory_space<vmem>>, vector<1x16xf32>,
      %parallel_loop3A_229 = vector.shape_cast %parallel_loop3A_228 : vector<1x16xf32> to vector<16xf32>
      %parallel_loop3A_230 = arith.constant 0.000000e+00 : f32
      %parallel_loop3A_231 = vector.broadcast %parallel_loop3A_230 : f32 to vector<16xf32>
      %parallel_loop3A_232 = arith.subf %parallel_loop3A_231, %parallel_loop3A_229 : vector<16xf32>
      %parallel_loop3A_233 = math.exp %parallel_loop3A_232 : vector<16xf32>
      %parallel_loop3A_234 = arith.constant 1.000000e+00 : f32
      %parallel_loop3A_235 = vector.broadcast %parallel_loop3A_234 : f32 to vector<16xf32>
      %parallel_loop3A_236 = arith.addf %parallel_loop3A_235, %parallel_loop3A_233 : vector<16xf32>
      %parallel_loop3A_237 = arith.constant 1.000000e+00 : f32
      %parallel_loop3A_238 = vector.broadcast %parallel_loop3A_237 : f32 to vector<16xf32>
      %parallel_loop3A_239 = arith.divf %parallel_loop3A_238, %parallel_loop3A_236 : vector<16xf32>
      %parallel_loop3A_240 = arith.index_cast %parallel_loop3A_92 : i32 to index
      %parallel_loop3A_241 = arith.constant 112 : index
      %parallel_loop3A_242 = tpu.vector_load %arg7[%parallel_loop3A_240, %parallel_loop3A_241] {strides = array<i32>} : memref<160x128xf32, #tpu.memory_space<vmem>>, vector<1x16xf32>,
      %parallel_loop3A_243 = vector.shape_cast %parallel_loop3A_242 : vector<1x16xf32> to vector<16xf32>
      %parallel_loop3A_244 = vector.shape_cast %parallel_loop3A_239 : vector<16xf32> to vector<1x16xf32>
      tpu.vector_store %arg7[%parallel_loop3A_240, %parallel_loop3A_241], %parallel_loop3A_244 {strides = array<i32>} : memref<160x128xf32, #tpu.memory_space<vmem>>, vector<1x16xf32>,
    } {sc.loop_unroll_factor = 4 : i64, sc.parallel_access}
    %add3A_42 = arith.constant 128 : i32
    %add3A_43 = arith.addi %mul3A_2, %add3A_42 : i32
    %dma_start3A_44 = arith.constant 0 : i32
    %dma_start3A_45 = tpu.memref_slice %arg4[%add3A_43, %dma_start3A_44] : memref<16384x128xf32, #tpu.memory_space<hbm>> -> memref<160x128xf32, #tpu.memory_space<hbm>>
    %dma_start3A_46 = arith.constant 0 : i32
    %dma_start3A_47 = tpu.memref_slice %arg4[%add3A_43, %dma_start3A_46] : memref<16384x128xf32, #tpu.memory_space<hbm>> -> memref<160x128xf32, #tpu.memory_space<hbm>>
    tpu.enqueue_dma source(%arg7 : memref<160x128xf32, #tpu.memory_space<vmem>>) target(%dma_start3A_47 : memref<160x128xf32, #tpu.memory_space<hbm>>) target_semaphore(%arg15 : memref<!tpu.dma_semaphore, #tpu.memory_space<semaphore_mem>>)
    %dma_wait3A_48 = arith.constant 288 : i32
    %dma_wait3A_49 = tpu.memref_slice %arg5[%dma_wait3A_48] : memref<512xi32, #tpu.memory_space<vmem>> -> memref<160xi32, #tpu.memory_space<vmem>>
    %dma_wait3A_50 = arith.constant 0 : i32
    %dma_wait3A_51 = arith.constant 0 : i32
    %dma_wait3A_52 = tpu.memref_slice %arg3[%dma_wait3A_50, %dma_wait3A_51] : memref<100000x128xf32, #tpu.memory_space<hbm>> -> memref<100000x128xf32, #tpu.memory_space<hbm>>
    tpu.wait_indirect_dma semaphore(%arg12 : memref<!tpu.dma_semaphore, #tpu.memory_space<semaphore_mem>>) src(%dma_wait3A_52 : memref<100000x128xf32, #tpu.memory_space<hbm>>) dst(%arg8 : memref<160x128xf32, #tpu.memory_space<vmem>>)
    %parallel_loop3A_53 = arith.constant 0 : i32
    %parallel_loop3A_54 = arith.constant 160 : i32
    %parallel_loop3A_55 = arith.constant 1 : i32
    scf.for %parallel_loop3A_92 = %parallel_loop3A_53 to %parallel_loop3A_54 step %parallel_loop3A_55  : i32 {
      %parallel_loop3A_93 = arith.index_cast %parallel_loop3A_92 : i32 to index
      %parallel_loop3A_94 = arith.constant 0 : index
      %parallel_loop3A_95 = tpu.vector_load %arg8[%parallel_loop3A_93, %parallel_loop3A_94] {strides = array<i32>} : memref<160x128xf32, #tpu.memory_space<vmem>>, vector<1x16xf32>,
      %parallel_loop3A_96 = vector.shape_cast %parallel_loop3A_95 : vector<1x16xf32> to vector<16xf32>
      %parallel_loop3A_97 = arith.constant 0.000000e+00 : f32
      %parallel_loop3A_98 = vector.broadcast %parallel_loop3A_97 : f32 to vector<16xf32>
      %parallel_loop3A_99 = arith.subf %parallel_loop3A_98, %parallel_loop3A_96 : vector<16xf32>
      %parallel_loop3A_100 = math.exp %parallel_loop3A_99 : vector<16xf32>
      %parallel_loop3A_101 = arith.constant 1.000000e+00 : f32
      %parallel_loop3A_102 = vector.broadcast %parallel_loop3A_101 : f32 to vector<16xf32>
      %parallel_loop3A_103 = arith.addf %parallel_loop3A_102, %parallel_loop3A_100 : vector<16xf32>
      %parallel_loop3A_104 = arith.constant 1.000000e+00 : f32
      %parallel_loop3A_105 = vector.broadcast %parallel_loop3A_104 : f32 to vector<16xf32>
      %parallel_loop3A_106 = arith.divf %parallel_loop3A_105, %parallel_loop3A_103 : vector<16xf32>
      %parallel_loop3A_107 = arith.index_cast %parallel_loop3A_92 : i32 to index
      %parallel_loop3A_108 = arith.constant 0 : index
      %parallel_loop3A_109 = tpu.vector_load %arg8[%parallel_loop3A_107, %parallel_loop3A_108] {strides = array<i32>} : memref<160x128xf32, #tpu.memory_space<vmem>>, vector<1x16xf32>,
      %parallel_loop3A_110 = vector.shape_cast %parallel_loop3A_109 : vector<1x16xf32> to vector<16xf32>
      %parallel_loop3A_111 = vector.shape_cast %parallel_loop3A_106 : vector<16xf32> to vector<1x16xf32>
      tpu.vector_store %arg8[%parallel_loop3A_107, %parallel_loop3A_108], %parallel_loop3A_111 {strides = array<i32>} : memref<160x128xf32, #tpu.memory_space<vmem>>, vector<1x16xf32>,
      %parallel_loop3A_112 = arith.index_cast %parallel_loop3A_92 : i32 to index
      %parallel_loop3A_113 = arith.constant 16 : index
      %parallel_loop3A_114 = tpu.vector_load %arg8[%parallel_loop3A_112, %parallel_loop3A_113] {strides = array<i32>} : memref<160x128xf32, #tpu.memory_space<vmem>>, vector<1x16xf32>,
      %parallel_loop3A_115 = vector.shape_cast %parallel_loop3A_114 : vector<1x16xf32> to vector<16xf32>
      %parallel_loop3A_116 = arith.constant 0.000000e+00 : f32
      %parallel_loop3A_117 = vector.broadcast %parallel_loop3A_116 : f32 to vector<16xf32>
      %parallel_loop3A_118 = arith.subf %parallel_loop3A_117, %parallel_loop3A_115 : vector<16xf32>
      %parallel_loop3A_119 = math.exp %parallel_loop3A_118 : vector<16xf32>
      %parallel_loop3A_120 = arith.constant 1.000000e+00 : f32
      %parallel_loop3A_121 = vector.broadcast %parallel_loop3A_120 : f32 to vector<16xf32>
      %parallel_loop3A_122 = arith.addf %parallel_loop3A_121, %parallel_loop3A_119 : vector<16xf32>
      %parallel_loop3A_123 = arith.constant 1.000000e+00 : f32
      %parallel_loop3A_124 = vector.broadcast %parallel_loop3A_123 : f32 to vector<16xf32>
      %parallel_loop3A_125 = arith.divf %parallel_loop3A_124, %parallel_loop3A_122 : vector<16xf32>
      %parallel_loop3A_126 = arith.index_cast %parallel_loop3A_92 : i32 to index
      %parallel_loop3A_127 = arith.constant 16 : index
      %parallel_loop3A_128 = tpu.vector_load %arg8[%parallel_loop3A_126, %parallel_loop3A_127] {strides = array<i32>} : memref<160x128xf32, #tpu.memory_space<vmem>>, vector<1x16xf32>,
      %parallel_loop3A_129 = vector.shape_cast %parallel_loop3A_128 : vector<1x16xf32> to vector<16xf32>
      %parallel_loop3A_130 = vector.shape_cast %parallel_loop3A_125 : vector<16xf32> to vector<1x16xf32>
      tpu.vector_store %arg8[%parallel_loop3A_126, %parallel_loop3A_127], %parallel_loop3A_130 {strides = array<i32>} : memref<160x128xf32, #tpu.memory_space<vmem>>, vector<1x16xf32>,
      %parallel_loop3A_131 = arith.index_cast %parallel_loop3A_92 : i32 to index
      %parallel_loop3A_132 = arith.constant 32 : index
      %parallel_loop3A_133 = tpu.vector_load %arg8[%parallel_loop3A_131, %parallel_loop3A_132] {strides = array<i32>} : memref<160x128xf32, #tpu.memory_space<vmem>>, vector<1x16xf32>,
      %parallel_loop3A_134 = vector.shape_cast %parallel_loop3A_133 : vector<1x16xf32> to vector<16xf32>
      %parallel_loop3A_135 = arith.constant 0.000000e+00 : f32
      %parallel_loop3A_136 = vector.broadcast %parallel_loop3A_135 : f32 to vector<16xf32>
      %parallel_loop3A_137 = arith.subf %parallel_loop3A_136, %parallel_loop3A_134 : vector<16xf32>
      %parallel_loop3A_138 = math.exp %parallel_loop3A_137 : vector<16xf32>
      %parallel_loop3A_139 = arith.constant 1.000000e+00 : f32
      %parallel_loop3A_140 = vector.broadcast %parallel_loop3A_139 : f32 to vector<16xf32>
      %parallel_loop3A_141 = arith.addf %parallel_loop3A_140, %parallel_loop3A_138 : vector<16xf32>
      %parallel_loop3A_142 = arith.constant 1.000000e+00 : f32
      %parallel_loop3A_143 = vector.broadcast %parallel_loop3A_142 : f32 to vector<16xf32>
      %parallel_loop3A_144 = arith.divf %parallel_loop3A_143, %parallel_loop3A_141 : vector<16xf32>
      %parallel_loop3A_145 = arith.index_cast %parallel_loop3A_92 : i32 to index
      %parallel_loop3A_146 = arith.constant 32 : index
      %parallel_loop3A_147 = tpu.vector_load %arg8[%parallel_loop3A_145, %parallel_loop3A_146] {strides = array<i32>} : memref<160x128xf32, #tpu.memory_space<vmem>>, vector<1x16xf32>,
      %parallel_loop3A_148 = vector.shape_cast %parallel_loop3A_147 : vector<1x16xf32> to vector<16xf32>
      %parallel_loop3A_149 = vector.shape_cast %parallel_loop3A_144 : vector<16xf32> to vector<1x16xf32>
      tpu.vector_store %arg8[%parallel_loop3A_145, %parallel_loop3A_146], %parallel_loop3A_149 {strides = array<i32>} : memref<160x128xf32, #tpu.memory_space<vmem>>, vector<1x16xf32>,
      %parallel_loop3A_150 = arith.index_cast %parallel_loop3A_92 : i32 to index
      %parallel_loop3A_151 = arith.constant 48 : index
      %parallel_loop3A_152 = tpu.vector_load %arg8[%parallel_loop3A_150, %parallel_loop3A_151] {strides = array<i32>} : memref<160x128xf32, #tpu.memory_space<vmem>>, vector<1x16xf32>,
      %parallel_loop3A_153 = vector.shape_cast %parallel_loop3A_152 : vector<1x16xf32> to vector<16xf32>
      %parallel_loop3A_154 = arith.constant 0.000000e+00 : f32
      %parallel_loop3A_155 = vector.broadcast %parallel_loop3A_154 : f32 to vector<16xf32>
      %parallel_loop3A_156 = arith.subf %parallel_loop3A_155, %parallel_loop3A_153 : vector<16xf32>
      %parallel_loop3A_157 = math.exp %parallel_loop3A_156 : vector<16xf32>
      %parallel_loop3A_158 = arith.constant 1.000000e+00 : f32
      %parallel_loop3A_159 = vector.broadcast %parallel_loop3A_158 : f32 to vector<16xf32>
      %parallel_loop3A_160 = arith.addf %parallel_loop3A_159, %parallel_loop3A_157 : vector<16xf32>
      %parallel_loop3A_161 = arith.constant 1.000000e+00 : f32
      %parallel_loop3A_162 = vector.broadcast %parallel_loop3A_161 : f32 to vector<16xf32>
      %parallel_loop3A_163 = arith.divf %parallel_loop3A_162, %parallel_loop3A_160 : vector<16xf32>
      %parallel_loop3A_164 = arith.index_cast %parallel_loop3A_92 : i32 to index
      %parallel_loop3A_165 = arith.constant 48 : index
      %parallel_loop3A_166 = tpu.vector_load %arg8[%parallel_loop3A_164, %parallel_loop3A_165] {strides = array<i32>} : memref<160x128xf32, #tpu.memory_space<vmem>>, vector<1x16xf32>,
      %parallel_loop3A_167 = vector.shape_cast %parallel_loop3A_166 : vector<1x16xf32> to vector<16xf32>
      %parallel_loop3A_168 = vector.shape_cast %parallel_loop3A_163 : vector<16xf32> to vector<1x16xf32>
      tpu.vector_store %arg8[%parallel_loop3A_164, %parallel_loop3A_165], %parallel_loop3A_168 {strides = array<i32>} : memref<160x128xf32, #tpu.memory_space<vmem>>, vector<1x16xf32>,
      %parallel_loop3A_169 = arith.index_cast %parallel_loop3A_92 : i32 to index
      %parallel_loop3A_170 = arith.constant 64 : index
      %parallel_loop3A_171 = tpu.vector_load %arg8[%parallel_loop3A_169, %parallel_loop3A_170] {strides = array<i32>} : memref<160x128xf32, #tpu.memory_space<vmem>>, vector<1x16xf32>,
      %parallel_loop3A_172 = vector.shape_cast %parallel_loop3A_171 : vector<1x16xf32> to vector<16xf32>
      %parallel_loop3A_173 = arith.constant 0.000000e+00 : f32
      %parallel_loop3A_174 = vector.broadcast %parallel_loop3A_173 : f32 to vector<16xf32>
      %parallel_loop3A_175 = arith.subf %parallel_loop3A_174, %parallel_loop3A_172 : vector<16xf32>
      %parallel_loop3A_176 = math.exp %parallel_loop3A_175 : vector<16xf32>
      %parallel_loop3A_177 = arith.constant 1.000000e+00 : f32
      %parallel_loop3A_178 = vector.broadcast %parallel_loop3A_177 : f32 to vector<16xf32>
      %parallel_loop3A_179 = arith.addf %parallel_loop3A_178, %parallel_loop3A_176 : vector<16xf32>
      %parallel_loop3A_180 = arith.constant 1.000000e+00 : f32
      %parallel_loop3A_181 = vector.broadcast %parallel_loop3A_180 : f32 to vector<16xf32>
      %parallel_loop3A_182 = arith.divf %parallel_loop3A_181, %parallel_loop3A_179 : vector<16xf32>
      %parallel_loop3A_183 = arith.index_cast %parallel_loop3A_92 : i32 to index
      %parallel_loop3A_184 = arith.constant 64 : index
      %parallel_loop3A_185 = tpu.vector_load %arg8[%parallel_loop3A_183, %parallel_loop3A_184] {strides = array<i32>} : memref<160x128xf32, #tpu.memory_space<vmem>>, vector<1x16xf32>,
      %parallel_loop3A_186 = vector.shape_cast %parallel_loop3A_185 : vector<1x16xf32> to vector<16xf32>
      %parallel_loop3A_187 = vector.shape_cast %parallel_loop3A_182 : vector<16xf32> to vector<1x16xf32>
      tpu.vector_store %arg8[%parallel_loop3A_183, %parallel_loop3A_184], %parallel_loop3A_187 {strides = array<i32>} : memref<160x128xf32, #tpu.memory_space<vmem>>, vector<1x16xf32>,
      %parallel_loop3A_188 = arith.index_cast %parallel_loop3A_92 : i32 to index
      %parallel_loop3A_189 = arith.constant 80 : index
      %parallel_loop3A_190 = tpu.vector_load %arg8[%parallel_loop3A_188, %parallel_loop3A_189] {strides = array<i32>} : memref<160x128xf32, #tpu.memory_space<vmem>>, vector<1x16xf32>,
      %parallel_loop3A_191 = vector.shape_cast %parallel_loop3A_190 : vector<1x16xf32> to vector<16xf32>
      %parallel_loop3A_192 = arith.constant 0.000000e+00 : f32
      %parallel_loop3A_193 = vector.broadcast %parallel_loop3A_192 : f32 to vector<16xf32>
      %parallel_loop3A_194 = arith.subf %parallel_loop3A_193, %parallel_loop3A_191 : vector<16xf32>
      %parallel_loop3A_195 = math.exp %parallel_loop3A_194 : vector<16xf32>
      %parallel_loop3A_196 = arith.constant 1.000000e+00 : f32
      %parallel_loop3A_197 = vector.broadcast %parallel_loop3A_196 : f32 to vector<16xf32>
      %parallel_loop3A_198 = arith.addf %parallel_loop3A_197, %parallel_loop3A_195 : vector<16xf32>
      %parallel_loop3A_199 = arith.constant 1.000000e+00 : f32
      %parallel_loop3A_200 = vector.broadcast %parallel_loop3A_199 : f32 to vector<16xf32>
      %parallel_loop3A_201 = arith.divf %parallel_loop3A_200, %parallel_loop3A_198 : vector<16xf32>
      %parallel_loop3A_202 = arith.index_cast %parallel_loop3A_92 : i32 to index
      %parallel_loop3A_203 = arith.constant 80 : index
      %parallel_loop3A_204 = tpu.vector_load %arg8[%parallel_loop3A_202, %parallel_loop3A_203] {strides = array<i32>} : memref<160x128xf32, #tpu.memory_space<vmem>>, vector<1x16xf32>,
      %parallel_loop3A_205 = vector.shape_cast %parallel_loop3A_204 : vector<1x16xf32> to vector<16xf32>
      %parallel_loop3A_206 = vector.shape_cast %parallel_loop3A_201 : vector<16xf32> to vector<1x16xf32>
      tpu.vector_store %arg8[%parallel_loop3A_202, %parallel_loop3A_203], %parallel_loop3A_206 {strides = array<i32>} : memref<160x128xf32, #tpu.memory_space<vmem>>, vector<1x16xf32>,
      %parallel_loop3A_207 = arith.index_cast %parallel_loop3A_92 : i32 to index
      %parallel_loop3A_208 = arith.constant 96 : index
      %parallel_loop3A_209 = tpu.vector_load %arg8[%parallel_loop3A_207, %parallel_loop3A_208] {strides = array<i32>} : memref<160x128xf32, #tpu.memory_space<vmem>>, vector<1x16xf32>,
      %parallel_loop3A_210 = vector.shape_cast %parallel_loop3A_209 : vector<1x16xf32> to vector<16xf32>
      %parallel_loop3A_211 = arith.constant 0.000000e+00 : f32
      %parallel_loop3A_212 = vector.broadcast %parallel_loop3A_211 : f32 to vector<16xf32>
      %parallel_loop3A_213 = arith.subf %parallel_loop3A_212, %parallel_loop3A_210 : vector<16xf32>
      %parallel_loop3A_214 = math.exp %parallel_loop3A_213 : vector<16xf32>
      %parallel_loop3A_215 = arith.constant 1.000000e+00 : f32
      %parallel_loop3A_216 = vector.broadcast %parallel_loop3A_215 : f32 to vector<16xf32>
      %parallel_loop3A_217 = arith.addf %parallel_loop3A_216, %parallel_loop3A_214 : vector<16xf32>
      %parallel_loop3A_218 = arith.constant 1.000000e+00 : f32
      %parallel_loop3A_219 = vector.broadcast %parallel_loop3A_218 : f32 to vector<16xf32>
      %parallel_loop3A_220 = arith.divf %parallel_loop3A_219, %parallel_loop3A_217 : vector<16xf32>
      %parallel_loop3A_221 = arith.index_cast %parallel_loop3A_92 : i32 to index
      %parallel_loop3A_222 = arith.constant 96 : index
      %parallel_loop3A_223 = tpu.vector_load %arg8[%parallel_loop3A_221, %parallel_loop3A_222] {strides = array<i32>} : memref<160x128xf32, #tpu.memory_space<vmem>>, vector<1x16xf32>,
      %parallel_loop3A_224 = vector.shape_cast %parallel_loop3A_223 : vector<1x16xf32> to vector<16xf32>
      %parallel_loop3A_225 = vector.shape_cast %parallel_loop3A_220 : vector<16xf32> to vector<1x16xf32>
      tpu.vector_store %arg8[%parallel_loop3A_221, %parallel_loop3A_222], %parallel_loop3A_225 {strides = array<i32>} : memref<160x128xf32, #tpu.memory_space<vmem>>, vector<1x16xf32>,
      %parallel_loop3A_226 = arith.index_cast %parallel_loop3A_92 : i32 to index
      %parallel_loop3A_227 = arith.constant 112 : index
      %parallel_loop3A_228 = tpu.vector_load %arg8[%parallel_loop3A_226, %parallel_loop3A_227] {strides = array<i32>} : memref<160x128xf32, #tpu.memory_space<vmem>>, vector<1x16xf32>,
      %parallel_loop3A_229 = vector.shape_cast %parallel_loop3A_228 : vector<1x16xf32> to vector<16xf32>
      %parallel_loop3A_230 = arith.constant 0.000000e+00 : f32
      %parallel_loop3A_231 = vector.broadcast %parallel_loop3A_230 : f32 to vector<16xf32>
      %parallel_loop3A_232 = arith.subf %parallel_loop3A_231, %parallel_loop3A_229 : vector<16xf32>
      %parallel_loop3A_233 = math.exp %parallel_loop3A_232 : vector<16xf32>
      %parallel_loop3A_234 = arith.constant 1.000000e+00 : f32
      %parallel_loop3A_235 = vector.broadcast %parallel_loop3A_234 : f32 to vector<16xf32>
      %parallel_loop3A_236 = arith.addf %parallel_loop3A_235, %parallel_loop3A_233 : vector<16xf32>
      %parallel_loop3A_237 = arith.constant 1.000000e+00 : f32
      %parallel_loop3A_238 = vector.broadcast %parallel_loop3A_237 : f32 to vector<16xf32>
      %parallel_loop3A_239 = arith.divf %parallel_loop3A_238, %parallel_loop3A_236 : vector<16xf32>
      %parallel_loop3A_240 = arith.index_cast %parallel_loop3A_92 : i32 to index
      %parallel_loop3A_241 = arith.constant 112 : index
      %parallel_loop3A_242 = tpu.vector_load %arg8[%parallel_loop3A_240, %parallel_loop3A_241] {strides = array<i32>} : memref<160x128xf32, #tpu.memory_space<vmem>>, vector<1x16xf32>,
      %parallel_loop3A_243 = vector.shape_cast %parallel_loop3A_242 : vector<1x16xf32> to vector<16xf32>
      %parallel_loop3A_244 = vector.shape_cast %parallel_loop3A_239 : vector<16xf32> to vector<1x16xf32>
      tpu.vector_store %arg8[%parallel_loop3A_240, %parallel_loop3A_241], %parallel_loop3A_244 {strides = array<i32>} : memref<160x128xf32, #tpu.memory_space<vmem>>, vector<1x16xf32>,
    } {sc.loop_unroll_factor = 4 : i64, sc.parallel_access}
    %add3A_56 = arith.constant 288 : i32
    %add3A_57 = arith.addi %mul3A_2, %add3A_56 : i32
    %dma_start3A_58 = arith.constant 0 : i32
    %dma_start3A_59 = tpu.memref_slice %arg4[%add3A_57, %dma_start3A_58] : memref<16384x128xf32, #tpu.memory_space<hbm>> -> memref<160x128xf32, #tpu.memory_space<hbm>>
    %dma_start3A_60 = arith.constant 0 : i32
    %dma_start3A_61 = tpu.memref_slice %arg4[%add3A_57, %dma_start3A_60] : memref<16384x128xf32, #tpu.memory_space<hbm>> -> memref<160x128xf32, #tpu.memory_space<hbm>>
    tpu.enqueue_dma source(%arg8 : memref<160x128xf32, #tpu.memory_space<vmem>>) target(%dma_start3A_61 : memref<160x128xf32, #tpu.memory_space<hbm>>) target_semaphore(%arg16 : memref<!tpu.dma_semaphore, #tpu.memory_space<semaphore_mem>>)
    %dma_wait3A_62 = arith.constant 448 : i32
    %dma_wait3A_63 = tpu.memref_slice %arg5[%dma_wait3A_62] : memref<512xi32, #tpu.memory_space<vmem>> -> memref<64xi32, #tpu.memory_space<vmem>>
    %dma_wait3A_64 = arith.constant 0 : i32
    %dma_wait3A_65 = arith.constant 0 : i32
    %dma_wait3A_66 = tpu.memref_slice %arg3[%dma_wait3A_64, %dma_wait3A_65] : memref<100000x128xf32, #tpu.memory_space<hbm>> -> memref<100000x128xf32, #tpu.memory_space<hbm>>
    tpu.wait_indirect_dma semaphore(%arg13 : memref<!tpu.dma_semaphore, #tpu.memory_space<semaphore_mem>>) src(%dma_wait3A_66 : memref<100000x128xf32, #tpu.memory_space<hbm>>) dst(%arg9 : memref<64x128xf32, #tpu.memory_space<vmem>>)
    %parallel_loop3A_67 = arith.constant 0 : i32
    %parallel_loop3A_68 = arith.constant 64 : i32
    %parallel_loop3A_69 = arith.constant 1 : i32
    scf.for %parallel_loop3A_92 = %parallel_loop3A_67 to %parallel_loop3A_68 step %parallel_loop3A_69  : i32 {
      %parallel_loop3A_93 = arith.index_cast %parallel_loop3A_92 : i32 to index
      %parallel_loop3A_94 = arith.constant 0 : index
      %parallel_loop3A_95 = tpu.vector_load %arg9[%parallel_loop3A_93, %parallel_loop3A_94] {strides = array<i32>} : memref<64x128xf32, #tpu.memory_space<vmem>>, vector<1x16xf32>,
      %parallel_loop3A_96 = vector.shape_cast %parallel_loop3A_95 : vector<1x16xf32> to vector<16xf32>
      %parallel_loop3A_97 = arith.constant 0.000000e+00 : f32
      %parallel_loop3A_98 = vector.broadcast %parallel_loop3A_97 : f32 to vector<16xf32>
      %parallel_loop3A_99 = arith.subf %parallel_loop3A_98, %parallel_loop3A_96 : vector<16xf32>
      %parallel_loop3A_100 = math.exp %parallel_loop3A_99 : vector<16xf32>
      %parallel_loop3A_101 = arith.constant 1.000000e+00 : f32
      %parallel_loop3A_102 = vector.broadcast %parallel_loop3A_101 : f32 to vector<16xf32>
      %parallel_loop3A_103 = arith.addf %parallel_loop3A_102, %parallel_loop3A_100 : vector<16xf32>
      %parallel_loop3A_104 = arith.constant 1.000000e+00 : f32
      %parallel_loop3A_105 = vector.broadcast %parallel_loop3A_104 : f32 to vector<16xf32>
      %parallel_loop3A_106 = arith.divf %parallel_loop3A_105, %parallel_loop3A_103 : vector<16xf32>
      %parallel_loop3A_107 = arith.index_cast %parallel_loop3A_92 : i32 to index
      %parallel_loop3A_108 = arith.constant 0 : index
      %parallel_loop3A_109 = tpu.vector_load %arg9[%parallel_loop3A_107, %parallel_loop3A_108] {strides = array<i32>} : memref<64x128xf32, #tpu.memory_space<vmem>>, vector<1x16xf32>,
      %parallel_loop3A_110 = vector.shape_cast %parallel_loop3A_109 : vector<1x16xf32> to vector<16xf32>
      %parallel_loop3A_111 = vector.shape_cast %parallel_loop3A_106 : vector<16xf32> to vector<1x16xf32>
      tpu.vector_store %arg9[%parallel_loop3A_107, %parallel_loop3A_108], %parallel_loop3A_111 {strides = array<i32>} : memref<64x128xf32, #tpu.memory_space<vmem>>, vector<1x16xf32>,
      %parallel_loop3A_112 = arith.index_cast %parallel_loop3A_92 : i32 to index
      %parallel_loop3A_113 = arith.constant 16 : index
      %parallel_loop3A_114 = tpu.vector_load %arg9[%parallel_loop3A_112, %parallel_loop3A_113] {strides = array<i32>} : memref<64x128xf32, #tpu.memory_space<vmem>>, vector<1x16xf32>,
      %parallel_loop3A_115 = vector.shape_cast %parallel_loop3A_114 : vector<1x16xf32> to vector<16xf32>
      %parallel_loop3A_116 = arith.constant 0.000000e+00 : f32
      %parallel_loop3A_117 = vector.broadcast %parallel_loop3A_116 : f32 to vector<16xf32>
      %parallel_loop3A_118 = arith.subf %parallel_loop3A_117, %parallel_loop3A_115 : vector<16xf32>
      %parallel_loop3A_119 = math.exp %parallel_loop3A_118 : vector<16xf32>
      %parallel_loop3A_120 = arith.constant 1.000000e+00 : f32
      %parallel_loop3A_121 = vector.broadcast %parallel_loop3A_120 : f32 to vector<16xf32>
      %parallel_loop3A_122 = arith.addf %parallel_loop3A_121, %parallel_loop3A_119 : vector<16xf32>
      %parallel_loop3A_123 = arith.constant 1.000000e+00 : f32
      %parallel_loop3A_124 = vector.broadcast %parallel_loop3A_123 : f32 to vector<16xf32>
      %parallel_loop3A_125 = arith.divf %parallel_loop3A_124, %parallel_loop3A_122 : vector<16xf32>
      %parallel_loop3A_126 = arith.index_cast %parallel_loop3A_92 : i32 to index
      %parallel_loop3A_127 = arith.constant 16 : index
      %parallel_loop3A_128 = tpu.vector_load %arg9[%parallel_loop3A_126, %parallel_loop3A_127] {strides = array<i32>} : memref<64x128xf32, #tpu.memory_space<vmem>>, vector<1x16xf32>,
      %parallel_loop3A_129 = vector.shape_cast %parallel_loop3A_128 : vector<1x16xf32> to vector<16xf32>
      %parallel_loop3A_130 = vector.shape_cast %parallel_loop3A_125 : vector<16xf32> to vector<1x16xf32>
      tpu.vector_store %arg9[%parallel_loop3A_126, %parallel_loop3A_127], %parallel_loop3A_130 {strides = array<i32>} : memref<64x128xf32, #tpu.memory_space<vmem>>, vector<1x16xf32>,
      %parallel_loop3A_131 = arith.index_cast %parallel_loop3A_92 : i32 to index
      %parallel_loop3A_132 = arith.constant 32 : index
      %parallel_loop3A_133 = tpu.vector_load %arg9[%parallel_loop3A_131, %parallel_loop3A_132] {strides = array<i32>} : memref<64x128xf32, #tpu.memory_space<vmem>>, vector<1x16xf32>,
      %parallel_loop3A_134 = vector.shape_cast %parallel_loop3A_133 : vector<1x16xf32> to vector<16xf32>
      %parallel_loop3A_135 = arith.constant 0.000000e+00 : f32
      %parallel_loop3A_136 = vector.broadcast %parallel_loop3A_135 : f32 to vector<16xf32>
      %parallel_loop3A_137 = arith.subf %parallel_loop3A_136, %parallel_loop3A_134 : vector<16xf32>
      %parallel_loop3A_138 = math.exp %parallel_loop3A_137 : vector<16xf32>
      %parallel_loop3A_139 = arith.constant 1.000000e+00 : f32
      %parallel_loop3A_140 = vector.broadcast %parallel_loop3A_139 : f32 to vector<16xf32>
      %parallel_loop3A_141 = arith.addf %parallel_loop3A_140, %parallel_loop3A_138 : vector<16xf32>
      %parallel_loop3A_142 = arith.constant 1.000000e+00 : f32
      %parallel_loop3A_143 = vector.broadcast %parallel_loop3A_142 : f32 to vector<16xf32>
      %parallel_loop3A_144 = arith.divf %parallel_loop3A_143, %parallel_loop3A_141 : vector<16xf32>
      %parallel_loop3A_145 = arith.index_cast %parallel_loop3A_92 : i32 to index
      %parallel_loop3A_146 = arith.constant 32 : index
      %parallel_loop3A_147 = tpu.vector_load %arg9[%parallel_loop3A_145, %parallel_loop3A_146] {strides = array<i32>} : memref<64x128xf32, #tpu.memory_space<vmem>>, vector<1x16xf32>,
      %parallel_loop3A_148 = vector.shape_cast %parallel_loop3A_147 : vector<1x16xf32> to vector<16xf32>
      %parallel_loop3A_149 = vector.shape_cast %parallel_loop3A_144 : vector<16xf32> to vector<1x16xf32>
      tpu.vector_store %arg9[%parallel_loop3A_145, %parallel_loop3A_146], %parallel_loop3A_149 {strides = array<i32>} : memref<64x128xf32, #tpu.memory_space<vmem>>, vector<1x16xf32>,
      %parallel_loop3A_150 = arith.index_cast %parallel_loop3A_92 : i32 to index
      %parallel_loop3A_151 = arith.constant 48 : index
      %parallel_loop3A_152 = tpu.vector_load %arg9[%parallel_loop3A_150, %parallel_loop3A_151] {strides = array<i32>} : memref<64x128xf32, #tpu.memory_space<vmem>>, vector<1x16xf32>,
      %parallel_loop3A_153 = vector.shape_cast %parallel_loop3A_152 : vector<1x16xf32> to vector<16xf32>
      %parallel_loop3A_154 = arith.constant 0.000000e+00 : f32
      %parallel_loop3A_155 = vector.broadcast %parallel_loop3A_154 : f32 to vector<16xf32>
      %parallel_loop3A_156 = arith.subf %parallel_loop3A_155, %parallel_loop3A_153 : vector<16xf32>
      %parallel_loop3A_157 = math.exp %parallel_loop3A_156 : vector<16xf32>
      %parallel_loop3A_158 = arith.constant 1.000000e+00 : f32
      %parallel_loop3A_159 = vector.broadcast %parallel_loop3A_158 : f32 to vector<16xf32>
      %parallel_loop3A_160 = arith.addf %parallel_loop3A_159, %parallel_loop3A_157 : vector<16xf32>
      %parallel_loop3A_161 = arith.constant 1.000000e+00 : f32
      %parallel_loop3A_162 = vector.broadcast %parallel_loop3A_161 : f32 to vector<16xf32>
      %parallel_loop3A_163 = arith.divf %parallel_loop3A_162, %parallel_loop3A_160 : vector<16xf32>
      %parallel_loop3A_164 = arith.index_cast %parallel_loop3A_92 : i32 to index
      %parallel_loop3A_165 = arith.constant 48 : index
      %parallel_loop3A_166 = tpu.vector_load %arg9[%parallel_loop3A_164, %parallel_loop3A_165] {strides = array<i32>} : memref<64x128xf32, #tpu.memory_space<vmem>>, vector<1x16xf32>,
      %parallel_loop3A_167 = vector.shape_cast %parallel_loop3A_166 : vector<1x16xf32> to vector<16xf32>
      %parallel_loop3A_168 = vector.shape_cast %parallel_loop3A_163 : vector<16xf32> to vector<1x16xf32>
      tpu.vector_store %arg9[%parallel_loop3A_164, %parallel_loop3A_165], %parallel_loop3A_168 {strides = array<i32>} : memref<64x128xf32, #tpu.memory_space<vmem>>, vector<1x16xf32>,
      %parallel_loop3A_169 = arith.index_cast %parallel_loop3A_92 : i32 to index
      %parallel_loop3A_170 = arith.constant 64 : index
      %parallel_loop3A_171 = tpu.vector_load %arg9[%parallel_loop3A_169, %parallel_loop3A_170] {strides = array<i32>} : memref<64x128xf32, #tpu.memory_space<vmem>>, vector<1x16xf32>,
      %parallel_loop3A_172 = vector.shape_cast %parallel_loop3A_171 : vector<1x16xf32> to vector<16xf32>
      %parallel_loop3A_173 = arith.constant 0.000000e+00 : f32
      %parallel_loop3A_174 = vector.broadcast %parallel_loop3A_173 : f32 to vector<16xf32>
      %parallel_loop3A_175 = arith.subf %parallel_loop3A_174, %parallel_loop3A_172 : vector<16xf32>
      %parallel_loop3A_176 = math.exp %parallel_loop3A_175 : vector<16xf32>
      %parallel_loop3A_177 = arith.constant 1.000000e+00 : f32
      %parallel_loop3A_178 = vector.broadcast %parallel_loop3A_177 : f32 to vector<16xf32>
      %parallel_loop3A_179 = arith.addf %parallel_loop3A_178, %parallel_loop3A_176 : vector<16xf32>
      %parallel_loop3A_180 = arith.constant 1.000000e+00 : f32
      %parallel_loop3A_181 = vector.broadcast %parallel_loop3A_180 : f32 to vector<16xf32>
      %parallel_loop3A_182 = arith.divf %parallel_loop3A_181, %parallel_loop3A_179 : vector<16xf32>
      %parallel_loop3A_183 = arith.index_cast %parallel_loop3A_92 : i32 to index
      %parallel_loop3A_184 = arith.constant 64 : index
      %parallel_loop3A_185 = tpu.vector_load %arg9[%parallel_loop3A_183, %parallel_loop3A_184] {strides = array<i32>} : memref<64x128xf32, #tpu.memory_space<vmem>>, vector<1x16xf32>,
      %parallel_loop3A_186 = vector.shape_cast %parallel_loop3A_185 : vector<1x16xf32> to vector<16xf32>
      %parallel_loop3A_187 = vector.shape_cast %parallel_loop3A_182 : vector<16xf32> to vector<1x16xf32>
      tpu.vector_store %arg9[%parallel_loop3A_183, %parallel_loop3A_184], %parallel_loop3A_187 {strides = array<i32>} : memref<64x128xf32, #tpu.memory_space<vmem>>, vector<1x16xf32>,
      %parallel_loop3A_188 = arith.index_cast %parallel_loop3A_92 : i32 to index
      %parallel_loop3A_189 = arith.constant 80 : index
      %parallel_loop3A_190 = tpu.vector_load %arg9[%parallel_loop3A_188, %parallel_loop3A_189] {strides = array<i32>} : memref<64x128xf32, #tpu.memory_space<vmem>>, vector<1x16xf32>,
      %parallel_loop3A_191 = vector.shape_cast %parallel_loop3A_190 : vector<1x16xf32> to vector<16xf32>
      %parallel_loop3A_192 = arith.constant 0.000000e+00 : f32
      %parallel_loop3A_193 = vector.broadcast %parallel_loop3A_192 : f32 to vector<16xf32>
      %parallel_loop3A_194 = arith.subf %parallel_loop3A_193, %parallel_loop3A_191 : vector<16xf32>
      %parallel_loop3A_195 = math.exp %parallel_loop3A_194 : vector<16xf32>
      %parallel_loop3A_196 = arith.constant 1.000000e+00 : f32
      %parallel_loop3A_197 = vector.broadcast %parallel_loop3A_196 : f32 to vector<16xf32>
      %parallel_loop3A_198 = arith.addf %parallel_loop3A_197, %parallel_loop3A_195 : vector<16xf32>
      %parallel_loop3A_199 = arith.constant 1.000000e+00 : f32
      %parallel_loop3A_200 = vector.broadcast %parallel_loop3A_199 : f32 to vector<16xf32>
      %parallel_loop3A_201 = arith.divf %parallel_loop3A_200, %parallel_loop3A_198 : vector<16xf32>
      %parallel_loop3A_202 = arith.index_cast %parallel_loop3A_92 : i32 to index
      %parallel_loop3A_203 = arith.constant 80 : index
      %parallel_loop3A_204 = tpu.vector_load %arg9[%parallel_loop3A_202, %parallel_loop3A_203] {strides = array<i32>} : memref<64x128xf32, #tpu.memory_space<vmem>>, vector<1x16xf32>,
      %parallel_loop3A_205 = vector.shape_cast %parallel_loop3A_204 : vector<1x16xf32> to vector<16xf32>
      %parallel_loop3A_206 = vector.shape_cast %parallel_loop3A_201 : vector<16xf32> to vector<1x16xf32>
      tpu.vector_store %arg9[%parallel_loop3A_202, %parallel_loop3A_203], %parallel_loop3A_206 {strides = array<i32>} : memref<64x128xf32, #tpu.memory_space<vmem>>, vector<1x16xf32>,
      %parallel_loop3A_207 = arith.index_cast %parallel_loop3A_92 : i32 to index
      %parallel_loop3A_208 = arith.constant 96 : index
      %parallel_loop3A_209 = tpu.vector_load %arg9[%parallel_loop3A_207, %parallel_loop3A_208] {strides = array<i32>} : memref<64x128xf32, #tpu.memory_space<vmem>>, vector<1x16xf32>,
      %parallel_loop3A_210 = vector.shape_cast %parallel_loop3A_209 : vector<1x16xf32> to vector<16xf32>
      %parallel_loop3A_211 = arith.constant 0.000000e+00 : f32
      %parallel_loop3A_212 = vector.broadcast %parallel_loop3A_211 : f32 to vector<16xf32>
      %parallel_loop3A_213 = arith.subf %parallel_loop3A_212, %parallel_loop3A_210 : vector<16xf32>
      %parallel_loop3A_214 = math.exp %parallel_loop3A_213 : vector<16xf32>
      %parallel_loop3A_215 = arith.constant 1.000000e+00 : f32
      %parallel_loop3A_216 = vector.broadcast %parallel_loop3A_215 : f32 to vector<16xf32>
      %parallel_loop3A_217 = arith.addf %parallel_loop3A_216, %parallel_loop3A_214 : vector<16xf32>
      %parallel_loop3A_218 = arith.constant 1.000000e+00 : f32
      %parallel_loop3A_219 = vector.broadcast %parallel_loop3A_218 : f32 to vector<16xf32>
      %parallel_loop3A_220 = arith.divf %parallel_loop3A_219, %parallel_loop3A_217 : vector<16xf32>
      %parallel_loop3A_221 = arith.index_cast %parallel_loop3A_92 : i32 to index
      %parallel_loop3A_222 = arith.constant 96 : index
      %parallel_loop3A_223 = tpu.vector_load %arg9[%parallel_loop3A_221, %parallel_loop3A_222] {strides = array<i32>} : memref<64x128xf32, #tpu.memory_space<vmem>>, vector<1x16xf32>,
      %parallel_loop3A_224 = vector.shape_cast %parallel_loop3A_223 : vector<1x16xf32> to vector<16xf32>
      %parallel_loop3A_225 = vector.shape_cast %parallel_loop3A_220 : vector<16xf32> to vector<1x16xf32>
      tpu.vector_store %arg9[%parallel_loop3A_221, %parallel_loop3A_222], %parallel_loop3A_225 {strides = array<i32>} : memref<64x128xf32, #tpu.memory_space<vmem>>, vector<1x16xf32>,
      %parallel_loop3A_226 = arith.index_cast %parallel_loop3A_92 : i32 to index
      %parallel_loop3A_227 = arith.constant 112 : index
      %parallel_loop3A_228 = tpu.vector_load %arg9[%parallel_loop3A_226, %parallel_loop3A_227] {strides = array<i32>} : memref<64x128xf32, #tpu.memory_space<vmem>>, vector<1x16xf32>,
      %parallel_loop3A_229 = vector.shape_cast %parallel_loop3A_228 : vector<1x16xf32> to vector<16xf32>
      %parallel_loop3A_230 = arith.constant 0.000000e+00 : f32
      %parallel_loop3A_231 = vector.broadcast %parallel_loop3A_230 : f32 to vector<16xf32>
      %parallel_loop3A_232 = arith.subf %parallel_loop3A_231, %parallel_loop3A_229 : vector<16xf32>
      %parallel_loop3A_233 = math.exp %parallel_loop3A_232 : vector<16xf32>
      %parallel_loop3A_234 = arith.constant 1.000000e+00 : f32
      %parallel_loop3A_235 = vector.broadcast %parallel_loop3A_234 : f32 to vector<16xf32>
      %parallel_loop3A_236 = arith.addf %parallel_loop3A_235, %parallel_loop3A_233 : vector<16xf32>
      %parallel_loop3A_237 = arith.constant 1.000000e+00 : f32
      %parallel_loop3A_238 = vector.broadcast %parallel_loop3A_237 : f32 to vector<16xf32>
      %parallel_loop3A_239 = arith.divf %parallel_loop3A_238, %parallel_loop3A_236 : vector<16xf32>
      %parallel_loop3A_240 = arith.index_cast %parallel_loop3A_92 : i32 to index
      %parallel_loop3A_241 = arith.constant 112 : index
      %parallel_loop3A_242 = tpu.vector_load %arg9[%parallel_loop3A_240, %parallel_loop3A_241] {strides = array<i32>} : memref<64x128xf32, #tpu.memory_space<vmem>>, vector<1x16xf32>,
      %parallel_loop3A_243 = vector.shape_cast %parallel_loop3A_242 : vector<1x16xf32> to vector<16xf32>
      %parallel_loop3A_244 = vector.shape_cast %parallel_loop3A_239 : vector<16xf32> to vector<1x16xf32>
      tpu.vector_store %arg9[%parallel_loop3A_240, %parallel_loop3A_241], %parallel_loop3A_244 {strides = array<i32>} : memref<64x128xf32, #tpu.memory_space<vmem>>, vector<1x16xf32>,
    } {sc.loop_unroll_factor = 4 : i64, sc.parallel_access}
    %add3A_70 = arith.constant 448 : i32
    %add3A_71 = arith.addi %mul3A_2, %add3A_70 : i32
    %dma_start3A_72 = arith.constant 0 : i32
    %dma_start3A_73 = tpu.memref_slice %arg4[%add3A_71, %dma_start3A_72] : memref<16384x128xf32, #tpu.memory_space<hbm>> -> memref<64x128xf32, #tpu.memory_space<hbm>>
    %dma_start3A_74 = arith.constant 0 : i32
    %dma_start3A_75 = tpu.memref_slice %arg4[%add3A_71, %dma_start3A_74] : memref<16384x128xf32, #tpu.memory_space<hbm>> -> memref<64x128xf32, #tpu.memory_space<hbm>>
    tpu.enqueue_dma source(%arg9 : memref<64x128xf32, #tpu.memory_space<vmem>>) target(%dma_start3A_75 : memref<64x128xf32, #tpu.memory_space<hbm>>) target_semaphore(%arg17 : memref<!tpu.dma_semaphore, #tpu.memory_space<semaphore_mem>>)
    %dma_wait3A_76 = arith.constant 0 : i32
    %dma_wait3A_77 = tpu.memref_slice %arg4[%add3A_29, %dma_wait3A_76] : memref<16384x128xf32, #tpu.memory_space<hbm>> -> memref<128x128xf32, #tpu.memory_space<hbm>>
    %dma_wait3A_78 = arith.constant 0 : i32
    %dma_wait3A_79 = tpu.memref_slice %arg4[%add3A_29, %dma_wait3A_78] : memref<16384x128xf32, #tpu.memory_space<hbm>> -> memref<128x128xf32, #tpu.memory_space<hbm>>
    tpu.wait_dma2 semaphore(%arg14 : memref<!tpu.dma_semaphore, #tpu.memory_space<semaphore_mem>>) src(%arg6 : memref<128x128xf32, #tpu.memory_space<vmem>>) dst(%dma_wait3A_79 : memref<128x128xf32, #tpu.memory_space<hbm>>)
    %dma_wait3A_80 = arith.constant 0 : i32
    %dma_wait3A_81 = tpu.memref_slice %arg4[%add3A_43, %dma_wait3A_80] : memref<16384x128xf32, #tpu.memory_space<hbm>> -> memref<160x128xf32, #tpu.memory_space<hbm>>
    %dma_wait3A_82 = arith.constant 0 : i32
    %dma_wait3A_83 = tpu.memref_slice %arg4[%add3A_43, %dma_wait3A_82] : memref<16384x128xf32, #tpu.memory_space<hbm>> -> memref<160x128xf32, #tpu.memory_space<hbm>>
    tpu.wait_dma2 semaphore(%arg15 : memref<!tpu.dma_semaphore, #tpu.memory_space<semaphore_mem>>) src(%arg7 : memref<160x128xf32, #tpu.memory_space<vmem>>) dst(%dma_wait3A_83 : memref<160x128xf32, #tpu.memory_space<hbm>>)
    %dma_wait3A_84 = arith.constant 0 : i32
    %dma_wait3A_85 = tpu.memref_slice %arg4[%add3A_57, %dma_wait3A_84] : memref<16384x128xf32, #tpu.memory_space<hbm>> -> memref<160x128xf32, #tpu.memory_space<hbm>>
    %dma_wait3A_86 = arith.constant 0 : i32
    %dma_wait3A_87 = tpu.memref_slice %arg4[%add3A_57, %dma_wait3A_86] : memref<16384x128xf32, #tpu.memory_space<hbm>> -> memref<160x128xf32, #tpu.memory_space<hbm>>
    tpu.wait_dma2 semaphore(%arg16 : memref<!tpu.dma_semaphore, #tpu.memory_space<semaphore_mem>>) src(%arg8 : memref<160x128xf32, #tpu.memory_space<vmem>>) dst(%dma_wait3A_87 : memref<160x128xf32, #tpu.memory_space<hbm>>)
    %dma_wait3A_88 = arith.constant 0 : i32
    %dma_wait3A_89 = tpu.memref_slice %arg4[%add3A_71, %dma_wait3A_88] : memref<16384x128xf32, #tpu.memory_space<hbm>> -> memref<64x128xf32, #tpu.memory_space<hbm>>
    %dma_wait3A_90 = arith.constant 0 : i32
    %dma_wait3A_91 = tpu.memref_slice %arg4[%add3A_71, %dma_wait3A_90] : memref<16384x128xf32, #tpu.memory_space<hbm>> -> memref<64x128xf32, #tpu.memory_space<hbm>>
    tpu.wait_dma2 semaphore(%arg17 : memref<!tpu.dma_semaphore, #tpu.memory_space<semaphore_mem>>) src(%arg9 : memref<64x128xf32, #tpu.memory_space<vmem>>) dst(%dma_wait3A_91 : memref<64x128xf32, #tpu.memory_space<hbm>>)
    return
  }
}

</mosaic_0001>

<sc_bundles>
// kernel: kernel.3.cloned.1.call-start
scs
__scs_entry_jumppad:
0x0: {  	(pc) =	sbr.rel $0x88, $3  }
0x1: {  	(tag) =	ssettag $0x0;
	lr =	simm.s32 $0x1  }
0x2: {  	[smem:$0x3F9F] =	sst lr;
	_ =	strace $0xD0000000  }
0x3: {  	_ = 	snop  }
0x4: {  	_ = 	snop  }
0x5: {  	_ = 	snop  }
0x6: {  	_ = 	snop  }
0x7: {  	_ = 	snop  }
__scs_overlays_trampoline_lowered:
0x8: {  	[smem:$0x3FAE] =	sst s0  }
0x9: {  	[smem:$0x3FAF] =	sst s1  }
0xa: {  	[smem:$0x3FB0] =	sst s2  }
0xb: {  	[smem:$0x3FB1] =	sst s3  }
0xc: {  	[smem:$0x3FB2] =	sst s4  }
0xd: {  	[smem:$0x3FB3] =	sst s5  }
0xe: {  	[smem:$0x3FB4] =	sst s6  }
0xf: {  	[smem:$0x3FB5] =	sst s7  }
0x10: {  	[smem:$0x3FB6] =	sst s8  }
0x11: {  	[smem:$0x3FB7] =	sst s9;
	s0 =	simm.s32 @!p0 $0x0  }
0x12: {  	s1 =	sld [smem:$0x3F9D];
	s0 =	simm.s32 @p0 $0x1  }
0x13: {  	[smem:$0x3FB8] =	sst s0;
	s0 =	simm.s32 @!p1 $0x0  }
0x14: {  	s2 =	sld [smem:$0x3F9C];
	s0 =	simm.s32 @p1 $0x1  }
0x15: {  	[smem:$0x3FB9] =	sst s0;
	s0 =	simm.s32 @!p2 $0x0  }
0x16: {  	s3 =	sld [smem:$0x3FDB];
	s0 =	simm.s32 @p2 $0x1  }
0x17: {  	s4 =	simm.s32 $0x1BF5;
	[smem:$0x3FBB] =	sst s0  }
0x18: {  	s0 =	sld [smem:$0x3F9E];
	_ =	swait.ge [sflag:s4], $0x0  }
0x19: {  	s7 =	sld [smem:$0x3F9F]  }
0x1a: {  	s8 =	sadd.s32 $0xFFFFE003, lr  }
0x1b: {  	s9 =	sadd.s32 $0xFFFFFEF7, lr;
	s5 =	simm.s32 $0xFFFFFFFF;
	p2 =	slt.u32 s8, $0xFFFFF086  }
0x1c: {  	p1 =	slt.u32 s9, $0xF7A;
	s5 =	simm.s32 @!p2 $0x0  }
0x1d: {  	s5 =	simm.s32 @p1 $0x1;
	p0 =	seq.s32 s7, s2  }
0x1e: {  	s7 =	smul.u32 @!p0 $0xF7A, s2;
	p2 =	seq.s32 @!p0 s5, $0x0  }
0x1f: {  	s9 =	smul.u32 $0xF7A, s1;
	s8 =	simm.s32 @!p0 $0x1BF5;
	p2 =	por !p2, p0  }
0x20: {  	[sflag:s8] =	ssyncset.s32 @!p0 $0xFFFFF086;
	s6 =	sadd.s32 @!p0 s3, s7;
	s7 =	simm.s32 @!p0 $0x108  }
0x21: {  	s3 =	sadd.s32 s3, s9;
	s6 =	sadd.s32 @!p0 $0x88, s6;
	s7 =	simm.s32 @p2 $0x1082  }
0x22: {  	[simem:s7], [sflag:s8] =	dma.local @!p0 [hbm:s6], $0xF7A  }
0x23: {  	s9 =	sor.u32 $0xD0000000, s2;
	s6 =	simm.s32 $0x108;
	_ =	swait.ge @!p0 [sflag:s8], $0x0  }
0x24: {  	s3 =	sadd.s32 $0x88, s3;
	s6 =	simm.s32 @!p1 $0x1082;
	[sflag:s4] =	ssyncset.s32 $0xFFFFF086  }
0x25: {  	[simem:s6], [sflag:s4] =	dma.local [hbm:s3], $0xF7A  }
0x26: {  	[smem:$0x3F9F] =	sst s1;
	(tag) =	ssettag s2;
	_ =	strace s9  }
0x27: {  	s1 =	sld [smem:$0x3FAF]  }
0x28: {  	s2 =	sld [smem:$0x3FB0]  }
0x29: {  	s4 =	sld [smem:$0x3FB2]  }
0x2a: {  	p0 =	seq.s32 s5, $0x0;
	s5 =	sld [smem:$0x3FB3]  }
0x2b: {  	s6 =	sld [smem:$0x3FB4]  }
0x2c: {  	s7 =	sld [smem:$0x3FB5]  }
0x2d: {  	s3 =	simm.s32 $0x108;
	s8 =	sld [smem:$0x3FB6]  }
0x2e: {  	s3 =	simm.s32 @!p0 $0x1082;
	s9 =	sld [smem:$0x3FB7]  }
0x2f: {  	lr =	sadd.s32 s0, s3;
	s0 =	sld [smem:$0x3FAE]  }
0x30: {  	s3 =	sld [smem:$0x3FB1]  }
0x31: {  	[smem:$0x3FBA] =	sst s10  }
0x32: {  	s10 =	sld [smem:$0x3FB8];
	_ =	sdelay $0x3  }
0x33: {  	p0 =	seq.s32 s10, $0x1;
	s10 =	sld [smem:$0x3FBA];
	_ =	sdelay $0x3  }
0x34: {  	[smem:$0x3FBA] =	sst s10  }
0x35: {  	s10 =	sld [smem:$0x3FB9];
	_ =	sdelay $0x3  }
0x36: {  	p1 =	seq.s32 s10, $0x1;
	s10 =	sld [smem:$0x3FBA];
	_ =	sdelay $0x3  }
0x37: {  	[smem:$0x3FBA] =	sst s10  }
0x38: {  	s10 =	sld [smem:$0x3FBB]  }
0x39: {  	_ = 	snop;
	(pc) =	sbr.ind lr, $3  }
0x3a: {  	_ = 	snop  }
0x3b: {  	_ = 	snop  }
0x3c: {  	p2 =	seq.s32 s10, $0x1;
	s10 =	sld [smem:$0x3FBA]  }
0x3d: {  	_ =	shalt  }
0x3e: {  	_ =	shalt  }
0x3f: {  	_ =	shalt  }
0x40: {  	_ =	shalt  }
0x41: {  	_ =	shalt  }
0x42: {  	_ =	shalt  }
0x43: {  	_ =	shalt  }
0x44: {  	_ =	shalt  }
0x45: {  	_ =	shalt  }
0x46: {  	_ =	shalt  }
0x47: {  	_ =	shalt  }
0x48: {  	_ =	shalt  }
0x49: {  	_ =	shalt  }
0x4a: {  	_ =	shalt  }
0x4b: {  	_ =	shalt  }
0x4c: {  	_ =	shalt  }
0x4d: {  	_ =	shalt  }
0x4e: {  	_ =	shalt  }
0x4f: {  	_ =	shalt  }
0x50: {  	_ =	shalt  }
0x51: {  	_ =	shalt  }
0x52: {  	_ =	shalt  }
0x53: {  	_ =	shalt  }
0x54: {  	_ =	shalt  }
0x55: {  	_ =	shalt  }
0x56: {  	_ =	shalt  }
0x57: {  	_ =	shalt  }
0x58: {  	_ =	shalt  }
0x59: {  	_ =	shalt  }
0x5a: {  	_ =	shalt  }
0x5b: {  	_ =	shalt  }
0x5c: {  	_ =	shalt  }
0x5d: {  	_ =	shalt  }
0x5e: {  	_ =	shalt  }
0x5f: {  	_ =	shalt  }
0x60: {  	_ =	shalt  }
0x61: {  	_ =	shalt  }
0x62: {  	_ =	shalt  }
0x63: {  	_ =	shalt  }
0x64: {  	_ =	shalt  }
0x65: {  	_ =	shalt  }
0x66: {  	_ =	shalt  }
0x67: {  	_ =	shalt  }
0x68: {  	_ =	shalt  }
0x69: {  	_ =	shalt  }
0x6a: {  	_ =	shalt  }
0x6b: {  	_ =	shalt  }
0x6c: {  	_ =	shalt  }
0x6d: {  	_ =	shalt  }
0x6e: {  	_ =	shalt  }
0x6f: {  	_ =	shalt  }
0x70: {  	_ =	shalt  }
0x71: {  	_ =	shalt  }
0x72: {  	_ =	shalt  }
0x73: {  	_ =	shalt  }
0x74: {  	_ =	shalt  }
0x75: {  	_ =	shalt  }
0x76: {  	_ =	shalt  }
0x77: {  	_ =	shalt  }
0x78: {  	_ =	shalt  }
0x79: {  	_ =	shalt  }
0x7a: {  	_ =	shalt  }
0x7b: {  	_ =	shalt  }
0x7c: {  	_ =	shalt  }
0x7d: {  	_ =	shalt  }
0x7e: {  	_ =	shalt  }
0x7f: {  	_ =	shalt  }
0x80: {  	_ =	shalt  }
0x81: {  	_ =	shalt  }
0x82: {  	_ =	shalt  }
0x83: {  	_ =	shalt  }
0x84: {  	_ =	shalt  }
0x85: {  	_ =	shalt  }
0x86: {  	_ =	shalt  }
0x87: {  	_ =	shalt  }
.Lfunc_end0:
.L_simem_size_0:
called_computation_lowered:
.L_overlay_start_0:
0x88: {  	s2 =	sld [smem:$0x3FD9]  }
0x89: {  	s3 =	sld [smem:$0x3FFE];
	_ =	sdelay $0x1  }
0x8a: {  	s1 =	srdreg.scid  }
0x8b: {  	s0 =	sand.u32 $0x1, s1  }
0x8c: {  	s18 =	sshll.u32 s0, $0xA;
	s2 =	sadd.s32 s3, s2  }
0x8d: {  	s2 =	sadd.s32 s2, s18  }
0x8e: {  	[smem:$0x3FC6] =	sst s2  }
0x8f: {  	_ = 	snop  }
0x90: {  	s2 =	sld [smem:$0x3FC9]  }
0x91: {  	s19 =	sld [smem:$0x3FC8]  }
0x92: {  	s4 =	sld [smem:$0x3FD0];
	(tm) =	ssettm $0x1  }
0x93: {  	s5 =	sld [smem:$0x3FFB];
	_ =	sdelay $0x3  }
0x94: {  	_ =	strace s5  }
0x95: {  	s5 =	sld [smem:$0x3FFC];
	_ =	sdelay $0x3  }
0x96: {  	_ =	strace s5  }
0x97: {  	s5 =	sld [smem:$0x3FFD];
	_ =	sdelay $0x3  }
0x98: {  	_ =	strace s5  }
0x99: {  	_ =	strace $0x8FFFFFFF  }
0x9a: {  	s20 =	sld [smem:$0x3FDB];
	_ =	sdelay $0x1  }
0x9b: {  	s6 =	simm.s32 $_scs_section_size  }
0x9c: {  	s7 =	simm.s32 $_size__tile_overlayer_lowered;
	s8 =	simm.s32 $_tile_overlayer_lowered  }
0x9d: {  	s23 =	simm.s32 $0x1BFF;
	s22 =	sshll.u32 s8, $0x1;
	s5 =	sadd.s32 s6, s20  }
0x9e: {  	s9 =	simm.s32 $0x0;
	s21 =	sshll.u32 s7, $0x1;
	s7 =	sadd.s32 s22, s5  }
0x9f: {  	[timem:s9], [sflag:s23] =	dma.local [hbm:s7], s21  }
0xa0: {  	_ =	swait.ge [sflag:s23], s21  }
0xa1: {  	s6 =	ssub.s32 $0x0, s21;
	[sflag:s23] =	ssyncset.done $0x0  }
0xa2: {  	[sflag:s23] =	ssyncadd.s32 s6;
	_ =	sdelay $0x1  }
0xa3: {  	s24 =	simm.s32 $0x1B8B  }
0xa4: {  	_ =	swait.ge [sflag:s24], $0x1  }
0xa5: {  	[sflag:s24] =	ssyncset.done $0x0  }
0xa6: {  	s25 =	simm.s32 $0x1B8E;
	[sflag:s24] =	ssyncadd.s32 $0xFFFFFFFF  }
0xa7: {  	s26 =	simm.s32 $execute0_lowered;
	[smem:$0x3FD2] =	sst s25  }
0xa8: {  	s6 =	sshll.u32 s26, $0x1;
	_ =	strace $0x80000046;
	[dreg:$0x1] =	wrdreg $0xFFFFFFFF  }
0xa9: {  	s28 =	simm.s32 $_size_execute0_lowered;
	s5 =	sadd.s32 s5, s6;
	[dreg:$0x0] =	wrdreg $0x0  }
0xaa: {  	s6 =	sshll.u32 s28, $0x1;
	[dreg:$0x2] =	wrdreg s5  }
0xab: {  	[dreg:$0x3] =	wrdreg s6  }
0xac: {  	[dreg:$0x4] =	wrdreg $0xC0  }
0xad: {  	_ =	task [dreg:s9], $0x5FFFF  }
0xae: {  	[dreg:$0x1] =	wrdreg $0xFFFFFFFF  }
0xaf: {  	[dreg:$0x0] =	wrdreg $0x60  }
0xb0: {  	[dreg:$0x2] =	wrdreg s2  }
0xb1: {  	[dreg:$0x3] =	wrdreg s19  }
0xb2: {  	[dreg:$0x4] =	wrdreg s4  }
0xb3: {  	[dreg:$0x5] =	wrdreg $0x9  }
0xb4: {  	_ =	task.clear_ibuf [dreg:s9], $0x6FFFF;
	_ =	strace $0x90000046  }
0xb5: {  	s29 =	simm.s32 $0x9;
	_ =	strace $0x80000048  }
0xb6: {  	_ =	swait.ge [sflag:s29], $0x1  }
0xb7: {  	[sflag:s29] =	ssyncadd.s32 $0xFFFFFFFF  }
0xb8: {  	_ =	strace $0x90000048  }
0xb9: {  	_ =	sfence  }
0xba: {  	s30 =	sld [smem:$0x0];
	_ =	sdelay $0x2  }
0xbb: {  	s31 =	sshll.u32 s1, $0xD;
	s1 =	sshrl.u32 s1, $0x2  }
0xbc: {  	s3 =	sand.u32 $0x4000, s31;
	s1 =	sadd.s32 s1, s30  }
0xbd: {  	s0 =	sor.u32 s3, s0;
	s1 =	sshll.u32 s1, $0x11  }
0xbe: {  	s0 =	sor.u32 s1, s0  }
0xbf: {  	s0 =	sadd.s32 $0x8F2B, s0  }
0xc0: {  	[sflag:s0] =	ssyncadd.remote.s32 $0x1  }
0xc1: {  	_ =	sfence.sel $0xFFFF  }
0xc2: {  	[dreg:$0x0] =	wrdreg $0xFFFFFFFF;
	(pc) =	sbr.abs _section_cstart, $3  }
0xc3: {  	[dreg:$0x1] =	wrdreg $0xFFFFFFFF  }
0xc4: {  	_ =	task.clear_ibuf [dreg:s9], $0x2FFFF;
	_ =	strace $0x9FFFFFFF  }
0xc5: {  	(tm) =	ssettm $0x7FFFFFFF  }
tec
execute0_lowered:
.L_overlay_start_1:
0x0: {  	(tag) =	ssettag $0x1  }
0x1: {  	s0 =	rddreg [dreg:$0x0]  }
0x2: {  	s2 =	rddreg [dreg:$0x1]  }
0x3: {  	s4 =	rddreg [dreg:$0x2]  }
0x4: {  	s3 =	srdreg.scid;
	s1 =	stileid.u32;
	s10 =	simm.s32 $0x9  }
0x5: {  	s11 =	simm.s32 $0x80;
	s12 =	simm.s32 $0x200;
	s13 =	simm.s32 $0xA0  }
0x6: {  	s14 =	simm.s32 $0x4200;
	s15 =	simm.s32 $0x120;
	s16 =	simm.s32 $0x9200  }
0x7: {  	s17 =	simm.s32 $0x40;
	s18 =	simm.s32 $0x1C0;
	s19 =	simm.s32 $0xE200  }
0x8: {  	s20 =	simm.s32 $0x1;
	s21 =	simm.s32 $0x2;
	s22 =	simm.s32 $0x3  }
0x9: {  	s23 =	simm.s32 $0x4;
	s24 =	simm.s32 $0x5;
	s25 =	simm.s32 $0x6  }
0xa: {  	s26 =	simm.s32 $0x7;
	s28 =	simm.s32 $0x8;
	s29 =	simm.s32 $0x0  }
0xb: {  	s5 =	sand.u32 $0x1, s3;
	s3 =	simm.s32 $0x0;
	s6 =	sshll.u32 s1, $0xA  }
0xc: {  	s7 =	sshll.u32 s5, $0x9;
	[smem:$0x7FF] =	sst s3;
	s5 =	ssub.s32 $0x2, s5  }
0xd: {  	s6 =	sor.u32 s7, s6;
	_ =	strace $0x80000047;
	s30 =	sshrl.u32 s5, $0x1  }
0xe: {  	s8 =	sshll.u32 s6, $0x4;
	s9 =	ssub.s32 s5, s30;
	s31 =	sshrl.u32 s6, $0x3  }
0xf: {  	s4 =	sadd.s32 s4, s8;
	s5 =	sadd.s32 s0, s31;
	s9 =	smax.u32 s9, $0x1  }
0x10: {  	s6 =	sadd.s32 $0x800, s4;
	s7 =	sadd.s32 $0x1200, s4;
	s8 =	sadd.s32 $0x1C00, s4  }
.LBB2_1:
0x11: {  	[tilespmem:s3], [sflag:$0x9] =	stream.linear.gather [hbm4b:s5+s3], $0x200, $0x38;
	[tilespmem:$0x10200] =	vst v63  }
0x12: {  	_ =	swait.ge [sflag:s10], $0x200  }
0x13: {  	[sflag:s10] =	ssyncset.done $0x0  }
0x14: {  	[sflag:s10] =	ssyncadd.s32 $0xFFFFFE00  }
0x15: {  	[tilespmem:s12], [sflag:$0x1] =	stream.indirect.gather [hbm4b:s2+s11], $0x80, s3, s11, $0xb8;
	[tilespmem:$0x10200] =	vst v63  }
0x16: {  	_ = 	snop  }
0x17: {  	[tilespmem:s14], [sflag:$0x2] =	stream.indirect.gather [hbm4b:s2+s13], $0x80, s11, s13, $0xb8;
	[tilespmem:$0x10200] =	vst v63  }
0x18: {  	_ = 	snop  }
0x19: {  	[tilespmem:s16], [sflag:$0x3] =	stream.indirect.gather [hbm4b:s2+s13], $0x80, s15, s13, $0xb8;
	[tilespmem:$0x10200] =	vst v63  }
0x1a: {  	_ = 	snop  }
0x1b: {  	[tilespmem:s19], [sflag:$0x4] =	stream.indirect.gather [hbm4b:s2+s17], $0x80, s18, s17, $0xb8;
	[tilespmem:$0x10200] =	vst v63  }
0x1c: {  	_ =	swait.ge [sflag:s20], $0x4000  }
0x1d: {  	[sflag:s20] =	ssyncset.done $0x0  }
0x1e: {  	s30 =	simm.s32 $0x300;
	[sflag:s20] =	ssyncadd.s32 $0xFFFFC000  }
0x1f: {  	v0 =	vld [tilespmem:s30+$0xF0]  }
0x20: {  	v1 =	vld [tilespmem:s30+$0xFFFFFF10]  }
0x21: {  	v2 =	vld [tilespmem:s30+$0xFFFFFF20]  }
0x22: {  	v3 =	vld [tilespmem:s30+$0xFFFFFF30]  }
0x23: {  	v4 =	vld [tilespmem:s30+$0xFFFFFF40]  }
0x24: {  	v5 =	vld [tilespmem:s30+$0xFFFFFF50];
	v0 =	vsub.f32 $0.0e+00, v0  }
0x25: {  	v6 =	vld [tilespmem:s30+$0xFFFFFF60];
	v1 =	vsub.f32 $0.0e+00, v1  }
0x26: {  	v7 =	vld [tilespmem:s30+$0xFFFFFF70];
	v2 =	vsub.f32 $0.0e+00, v2;
	v0 =	vmul.f32 $1.442695020e+00, v0  }
0x27: {  	v8 =	vld [tilespmem:s30+$0xFFFFFF80];
	v3 =	vsub.f32 $0.0e+00, v3;
	v1 =	vmul.f32 $1.442695020e+00, v1  }
0x28: {  	(erf) = vpow2.f32 v0;
	v0 =	vmul.f32 $1.442695020e+00, v2;
	v2 =	vsub.f32 $0.0e+00, v4  }
0x29: {  	v5 =	vsub.f32 $0.0e+00, v5;
	v3 =	vmul.f32 $1.442695020e+00, v3;
	v4 =	vld [tilespmem:s30+$0xFFFFFF90]  }
0x2a: {  	(erf) = vpow2.f32 v1;
	v1 =	vmul.f32 $1.442695020e+00, v2;
	v2 =	vsub.f32 $0.0e+00, v6  }
0x2b: {  	v9 =	vld [tilespmem:s30+$0xFFFFFFA0];
	v5 =	vmul.f32 $1.442695020e+00, v5;
	(erf) = vpow2.f32 v0;
	v6 =	vsub.f32 $0.0e+00, v7  }
0x2c: {  	v0 =	vld [tilespmem:s30+$0xFFFFFFB0];
	v7 =	vsub.f32 $0.0e+00, v8;
	(erf) = vpow2.f32 v3;
	v2 =	vmul.f32 $1.442695020e+00, v2  }
0x2d: {  	v3 =	vld [tilespmem:s30+$0xFFFFFFC0];
	(erf) = vpow2.f32 v1;
	v6 =	vmul.f32 $1.442695020e+00, v6  }
0x2e: {  	v1 =	vld [tilespmem:s30+$0xFFFFFFD0];
	v7 =	vmul.f32 $1.442695020e+00, v7;
	v4 =	vsub.f32 $0.0e+00, v4;
	(erf) = vpow2.f32 v5  }
0x2f: {  	v5 =	vld [tilespmem:s30+$0xFFFFFFE0];
	(erf) = vpow2.f32 v2  }
0x30: {  	v8 =	vsub.f32 $0.0e+00, v9;
	v2 =	vld [tilespmem:s30+$0xFFFFFFF0];
	v4 =	vmul.f32 $1.442695020e+00, v4;
	(erf) = vpow2.f32 v6  }
0x31: {  	v0 =	vsub.f32 $0.0e+00, v0;
	v6 =	vld [tilespmem:s30+$0x0];
	(erf) = vpow2.f32 v7  }
0x32: {  	v9 =	vld [tilespmem:s30+$0x10];
	v8 =	vmul.f32 $1.442695020e+00, v8;
	v3 =	vsub.f32 $0.0e+00, v3;
	v7 =	vpop (erf);
	(erf) = vpow2.f32 v4  }
0x33: {  	v0 =	vmul.f32 $1.442695020e+00, v0;
	v1 =	vsub.f32 $0.0e+00, v1;
	v4 =	vadd.f32 $1.000000000e+00, v7;
	v7 =	vld [tilespmem:s30+$0x20]  }
0x34: {  	v10 =	vpop (erf);
	(erf) = vpow2.f32 v8;
	v3 =	vmul.f32 $1.442695020e+00, v3;
	v5 =	vsub.f32 $0.0e+00, v5;
	v8 =	vld [tilespmem:s30+$0x30]  }
0x35: {  	v11 =	vpop (erf);
	v1 =	vmul.f32 $1.442695020e+00, v1;
	v2 =	vsub.f32 $0.0e+00, v2;
	(erf) = vrcp.f32 v4  }
0x36: {  	v4 =	vld [tilespmem:s30+$0x40];
	v12 =	vpop (erf);
	(erf) = vpow2.f32 v0;
	v0 =	vmul.f32 $1.442695020e+00, v5;
	v5 =	vsub.f32 $0.0e+00, v6  }
0x37: {  	v6 =	vld [tilespmem:s30+$0x50];
	v13 =	vpop (erf);
	v2 =	vmul.f32 $1.442695020e+00, v2;
	(erf) = vpow2.f32 v3;
	v3 =	vsub.f32 $0.0e+00, v9  }
0x38: {  	v9 =	vld [tilespmem:s30+$0x60];
	v14 =	vpop (erf);
	(erf) = vpow2.f32 v1;
	v1 =	vmul.f32 $1.442695020e+00, v5;
	v5 =	vsub.f32 $0.0e+00, v7  }
0x39: {  	v7 =	vld [tilespmem:s30+$0x70];
	v15 =	vpop (erf);
	(erf) = vpow2.f32 v0;
	v0 =	vmul.f32 $1.442695020e+00, v3;
	v3 =	vsub.f32 $0.0e+00, v8  }
0x3a: {  	v8 =	vld [tilespmem:s30+$0x80];
	v16 =	vpop (erf);
	(erf) = vpow2.f32 v2;
	v2 =	vmul.f32 $1.442695020e+00, v5  }
0x3b: {  	v4 =	vsub.f32 $0.0e+00, v4;
	v5 =	vld [tilespmem:s30+$0x90];
	v17 =	vpop (erf);
	(erf) = vpow2.f32 v1;
	v1 =	vmul.f32 $1.442695020e+00, v3  }
0x3c: {  	v3 =	vsub.f32 $0.0e+00, v6;
	v6 =	vld [tilespmem:s30+$0xA0]  }
0x3d: {  	v18 =	vpop (erf);
	(erf) = vpow2.f32 v0;
	v0 =	vmul.f32 $1.442695020e+00, v4;
	v4 =	vsub.f32 $0.0e+00, v9;
	v9 =	vld [tilespmem:s30+$0xB0]  }
0x3e: {  	v19 =	vpop (erf);
	(erf) = vpow2.f32 v2;
	v2 =	vmul.f32 $1.442695020e+00, v3;
	v3 =	vsub.f32 $0.0e+00, v7;
	v7 =	vld [tilespmem:s30+$0xC0]  }
0x3f: {  	v20 =	vld [tilespmem:s30+$0xFFFFFF00];
	(erf) = vpow2.f32 v1;
	v4 =	vmul.f32 $1.442695020e+00, v4;
	v8 =	vsub.f32 $0.0e+00, v8;
	v1 =	vpop (erf)  }
0x40: {  	v3 =	vmul.f32 $1.442695020e+00, v3;
	v5 =	vsub.f32 $0.0e+00, v5;
	v21 =	vpop (erf);
	(erf) = vpow2.f32 v0;
	v0 =	vld [tilespmem:s30+$0xD0]  }
0x41: {  	v8 =	vmul.f32 $1.442695020e+00, v8;
	v6 =	vsub.f32 $0.0e+00, v6;
	v22 =	vpop (erf);
	(erf) = vpow2.f32 v2;
	v2 =	vld [tilespmem:s30+$0xE0]  }
0x42: {  	v5 =	vmul.f32 $1.442695020e+00, v5;
	v9 =	vsub.f32 $0.0e+00, v9  }
0x43: {  	(erf) = vpow2.f32 v4;
	v4 =	vpop (erf);
	v6 =	vmul.f32 $1.442695020e+00, v6;
	v7 =	vsub.f32 $0.0e+00, v7  }
0x44: {  	v20 =	vsub.f32 $0.0e+00, v20;
	(erf) = vpow2.f32 v3;
	v3 =	vpop (erf);
	v9 =	vmul.f32 $1.442695020e+00, v9  }
0x45: {  	(erf) = vpow2.f32 v8;
	v8 =	vpop (erf);
	v7 =	vmul.f32 $1.442695020e+00, v7;
	v0 =	vsub.f32 $0.0e+00, v0  }
0x46: {  	v20 =	vmul.f32 $1.442695020e+00, v20;
	(erf) = vpow2.f32 v5;
	v5 =	vpop (erf);
	v2 =	vsub.f32 $0.0e+00, v2  }
0x47: {  	(erf) = vpow2.f32 v6;
	v6 =	vpop (erf);
	v0 =	vmul.f32 $1.442695020e+00, v0  }
0x48: {  	(erf) = vpow2.f32 v9;
	v9 =	vpop (erf);
	v2 =	vmul.f32 $1.442695020e+00, v2  }
0x49: {  	v10 =	vadd.f32 $1.000000000e+00, v10;
	(erf) = vpow2.f32 v7;
	v7 =	vpop (erf)  }
0x4a: {  	v11 =	vadd.f32 $1.000000000e+00, v11;
	(erf) = vpow2.f32 v20;
	v50 =	vpop (erf)  }
0x4b: {  	(erf) = vpow2.f32 v0;
	v0 =	vpop (erf)  }
0x4c: {  	(erf) = vpow2.f32 v2;
	v2 =	vpop (erf)  }
0x4d: {  	v12 =	vadd.f32 $1.000000000e+00, v12;
	(erf) = vrcp.f32 v10;
	v10 =	vpop (erf)  }
0x4e: {  	v13 =	vadd.f32 $1.000000000e+00, v13;
	(erf) = vrcp.f32 v11;
	v11 =	vpop (erf)  }
0x4f: {  	v14 =	vadd.f32 $1.000000000e+00, v14;
	(erf) = vrcp.f32 v12;
	v51 =	vpop (erf)  }
0x50: {  	v15 =	vadd.f32 $1.000000000e+00, v15;
	(erf) = vrcp.f32 v13;
	v52 =	vpop (erf)  }
0x51: {  	v16 =	vadd.f32 $1.000000000e+00, v16;
	(erf) = vrcp.f32 v14;
	v53 =	vpop (erf)  }
0x52: {  	v17 =	vadd.f32 $1.000000000e+00, v17;
	(erf) = vrcp.f32 v15;
	v54 =	vpop (erf)  }
0x53: {  	v18 =	vadd.f32 $1.000000000e+00, v18;
	(erf) = vrcp.f32 v16;
	v55 =	vpop (erf)  }
0x54: {  	(erf) = vrcp.f32 v17;
	v16 =	vadd.f32 $1.000000000e+00, v55;
	v56 =	vpop (erf)  }
0x55: {  	v19 =	vadd.f32 $1.000000000e+00, v19;
	(erf) = vrcp.f32 v18;
	v57 =	vpop (erf)  }
0x56: {  	[tilespmem:s30+$0xF0] =	vst v1;
	v1 =	vadd.f32 $1.000000000e+00, v21;
	(erf) = vrcp.f32 v16;
	v58 =	vpop (erf)  }
0x57: {  	v59 =	vadd.f32 $1.000000000e+00, v22;
	[tilespmem:s30+$0xFFFFFF10] =	vst v58;
	v60 =	vpop (erf);
	(erf) = vrcp.f32 v19  }
0x58: {  	v4 =	vadd.f32 $1.000000000e+00, v4;
	[tilespmem:s30+$0xFFFFFF20] =	vst v60;
	v61 =	vpop (erf);
	(erf) = vrcp.f32 v1  }
0x59: {  	v1 =	vadd.f32 $1.000000000e+00, v3;
	[tilespmem:s30+$0xFFFFFF30] =	vst v61;
	v3 =	vpop (erf);
	(erf) = vrcp.f32 v59  }
0x5a: {  	v8 =	vadd.f32 $1.000000000e+00, v8;
	[tilespmem:s30+$0xFFFFFF40] =	vst v3;
	v3 =	vpop (erf);
	(erf) = vrcp.f32 v4  }
0x5b: {  	v4 =	vadd.f32 $1.000000000e+00, v5;
	[tilespmem:s30+$0xFFFFFF50] =	vst v3;
	v3 =	vpop (erf);
	(erf) = vrcp.f32 v1  }
0x5c: {  	v62 =	vadd.f32 $1.000000000e+00, v50;
	v1 =	vadd.f32 $1.000000000e+00, v6;
	[tilespmem:s30+$0xFFFFFF60] =	vst v3;
	v3 =	vpop (erf);
	(erf) = vrcp.f32 v8  }
0x5d: {  	v6 =	vadd.f32 $1.000000000e+00, v9;
	v9 =	vadd.f32 $1.000000000e+00, v7;
	[tilespmem:s30+$0xFFFFFF70] =	vst v3;
	v3 =	vpop (erf);
	(erf) = vrcp.f32 v4  }
0x5e: {  	v63 =	vadd.f32 $1.000000000e+00, v0;
	v5 =	vadd.f32 $1.000000000e+00, v11;
	[tilespmem:s30+$0xFFFFFF80] =	vst v3;
	v0 =	vpop (erf);
	(erf) = vrcp.f32 v1  }
0x5f: {  	v7 =	vadd.f32 $1.000000000e+00, v10;
	v8 =	vadd.f32 $1.000000000e+00, v2;
	[tilespmem:s30+$0xFFFFFF90] =	vst v0;
	v0 =	vpop (erf);
	(erf) = vrcp.f32 v6  }
0x60: {  	v2 =	vadd.f32 $1.000000000e+00, v54;
	v4 =	vadd.f32 $1.000000000e+00, v52;
	[tilespmem:s30+$0xFFFFFF00] =	vst v0;
	v0 =	vpop (erf);
	(erf) = vrcp.f32 v9  }
0x61: {  	v3 =	vadd.f32 $1.000000000e+00, v53;
	v1 =	vadd.f32 $1.000000000e+00, v56;
	[tilespmem:s30+$0xFFFFFFA0] =	vst v0;
	v9 =	vpop (erf);
	(erf) = vrcp.f32 v62  }
0x62: {  	s31 =	simm.s32 $0x0;
	s0 =	simm.s32 $0x500;
	v6 =	vadd.f32 $1.000000000e+00, v51;
	v0 =	vadd.f32 $1.000000000e+00, v57;
	[tilespmem:s30+$0xFFFFFFB0] =	vst v9;
	v9 =	vpop (erf);
	(erf) = vrcp.f32 v63  }
.LBB2_2:
0x63: {  	v10 =	vld [tilespmem:s0+$0xF0];
	s31 =	sadd.s32 $0x4, s31;
	[tilespmem:s30+$0xFFFFFFC0] =	vst v9;
	v9 =	vpop (erf);
	(erf) = vrcp.f32 v8  }
0x64: {  	v8 =	vld [tilespmem:s0+$0xFFFFFF10];
	p0 =	slt.u32 s31, $0x7C;
	[tilespmem:s30+$0xFFFFFFD0] =	vst v9;
	v9 =	vpop (erf);
	(erf) = vrcp.f32 v7  }
0x65: {  	v7 =	vld [tilespmem:s0+$0xFFFFFF20];
	[tilespmem:s30+$0xFFFFFFE0] =	vst v9;
	v9 =	vpop (erf);
	(erf) = vrcp.f32 v5  }
0x66: {  	v5 =	vld [tilespmem:s0+$0xFFFFFF30];
	[tilespmem:s30+$0xFFFFFFF0] =	vst v9;
	v9 =	vpop (erf);
	(erf) = vrcp.f32 v6  }
0x67: {  	v6 =	vld [tilespmem:s0+$0xFFFFFF40];
	[tilespmem:s30+$0x0] =	vst v9;
	v9 =	vpop (erf);
	(erf) = vrcp.f32 v4  }
0x68: {  	v4 =	vld [tilespmem:s0+$0xFFFFFF50];
	v10 =	vsub.f32 $0.0e+00, v10;
	[tilespmem:s30+$0x10] =	vst v9;
	v9 =	vpop (erf);
	(erf) = vrcp.f32 v3  }
0x69: {  	v3 =	vsub.f32 $0.0e+00, v8;
	v8 =	vld [tilespmem:s0+$0xFFFFFF60];
	[tilespmem:s30+$0x20] =	vst v9;
	v9 =	vpop (erf);
	(erf) = vrcp.f32 v2  }
0x6a: {  	v2 =	vsub.f32 $0.0e+00, v7;
	v7 =	vld [tilespmem:s0+$0xFFFFFF70];
	v10 =	vmul.f32 $1.442695020e+00, v10;
	[tilespmem:s30+$0x30] =	vst v9;
	v9 =	vpop (erf);
	(erf) = vrcp.f32 v1  }
0x6b: {  	v11 =	vmul.f32 $1.442695020e+00, v3;
	v3 =	vsub.f32 $0.0e+00, v5;
	v5 =	vld [tilespmem:s0+$0xFFFFFF80];
	[tilespmem:s30+$0x40] =	vst v9;
	v9 =	vpop (erf);
	(erf) = vrcp.f32 v0  }
0x6c: {  	v12 =	vmul.f32 $1.442695020e+00, v2;
	v2 =	vsub.f32 $0.0e+00, v6;
	v6 =	vld [tilespmem:s0+$0xFFFFFF90];
	(erf) = vpow2.f32 v10;
	[tilespmem:s30+$0x50] =	vst v9;
	v9 =	vpop (erf)  }
0x6d: {  	v3 =	vmul.f32 $1.442695020e+00, v3;
	v4 =	vsub.f32 $0.0e+00, v4;
	v10 =	vld [tilespmem:s0+$0xFFFFFFA0];
	(erf) = vpow2.f32 v11;
	[tilespmem:s30+$0x60] =	vst v9;
	v1 =	vpop (erf)  }
0x6e: {  	v2 =	vmul.f32 $1.442695020e+00, v2;
	v8 =	vsub.f32 $0.0e+00, v8;
	v9 =	vld [tilespmem:s0+$0xFFFFFFB0];
	(erf) = vpow2.f32 v12;
	[tilespmem:s30+$0x70] =	vst v1;
	v0 =	vpop (erf)  }
0x6f: {  	v1 =	vmul.f32 $1.442695020e+00, v4;
	v4 =	vsub.f32 $0.0e+00, v7;
	v7 =	vld [tilespmem:s0+$0xFFFFFFC0];
	(erf) = vpow2.f32 v3;
	[tilespmem:s30+$0x80] =	vst v0;
	v0 =	vpop (erf)  }
0x70: {  	v3 =	vmul.f32 $1.442695020e+00, v8;
	v5 =	vsub.f32 $0.0e+00, v5;
	v8 =	vld [tilespmem:s0+$0xFFFFFFD0];
	(erf) = vpow2.f32 v2;
	[tilespmem:s30+$0x90] =	vst v0;
	v0 =	vpop (erf)  }
0x71: {  	v2 =	vmul.f32 $1.442695020e+00, v4;
	v4 =	vsub.f32 $0.0e+00, v6;
	v6 =	vld [tilespmem:s0+$0xFFFFFFE0];
	(erf) = vpow2.f32 v1;
	[tilespmem:s30+$0xA0] =	vst v0;
	v0 =	vpop (erf)  }
0x72: {  	v1 =	vmul.f32 $1.442695020e+00, v5;
	v5 =	vsub.f32 $0.0e+00, v10;
	v10 =	vld [tilespmem:s0+$0xFFFFFFF0];
	(erf) = vpow2.f32 v3;
	[tilespmem:s30+$0xB0] =	vst v0;
	v0 =	vpop (erf)  }
0x73: {  	v12 =	vmul.f32 $1.442695020e+00, v4;
	v4 =	vsub.f32 $0.0e+00, v9;
	v9 =	vld [tilespmem:s0+$0x0];
	(erf) = vpow2.f32 v2;
	[tilespmem:s30+$0xC0] =	vst v0;
	v0 =	vpop (erf)  }
0x74: {  	v2 =	vmul.f32 $1.442695020e+00, v5;
	v5 =	vsub.f32 $0.0e+00, v7;
	v7 =	vld [tilespmem:s0+$0x10];
	(erf) = vpow2.f32 v1;
	[tilespmem:s30+$0xD0] =	vst v0;
	v0 =	vpop (erf)  }
0x75: {  	v1 =	vmul.f32 $1.442695020e+00, v4;
	v4 =	vsub.f32 $0.0e+00, v8;
	v8 =	vld [tilespmem:s0+$0x20];
	(erf) = vpow2.f32 v12;
	v3 =	vpop (erf);
	[tilespmem:s30+$0xE0] =	vst v0;
	s30 =	smov.u32 s0  }
0x76: {  	v0 =	vmul.f32 $1.442695020e+00, v5;
	v5 =	vsub.f32 $0.0e+00, v6;
	v6 =	vld [tilespmem:s0+$0x30];
	v3 =	vadd.f32 $1.000000000e+00, v3;
	v11 =	vpop (erf)  }
0x77: {  	v4 =	vmul.f32 $1.442695020e+00, v4;
	v10 =	vsub.f32 $0.0e+00, v10;
	v12 =	vld [tilespmem:s0+$0x40];
	v13 =	vpop (erf);
	(erf) = vpow2.f32 v2  }
0x78: {  	v2 =	vmul.f32 $1.442695020e+00, v5;
	v5 =	vsub.f32 $0.0e+00, v9;
	v9 =	vld [tilespmem:s0+$0x50];
	v14 =	vpop (erf);
	(erf) = vrcp.f32 v3  }
0x79: {  	v3 =	vmul.f32 $1.442695020e+00, v10;
	v7 =	vsub.f32 $0.0e+00, v7;
	v10 =	vld [tilespmem:s0+$0x60];
	v15 =	vpop (erf);
	(erf) = vpow2.f32 v1  }
0x7a: {  	v1 =	vmul.f32 $1.442695020e+00, v5;
	v5 =	vsub.f32 $0.0e+00, v8;
	v8 =	vld [tilespmem:s0+$0x70];
	v16 =	vpop (erf);
	(erf) = vpow2.f32 v0  }
0x7b: {  	v0 =	vmul.f32 $1.442695020e+00, v7;
	v6 =	vsub.f32 $0.0e+00, v6;
	v7 =	vld [tilespmem:s0+$0x80];
	v17 =	vpop (erf);
	(erf) = vpow2.f32 v4  }
0x7c: {  	v4 =	vmul.f32 $1.442695020e+00, v5;
	v5 =	vsub.f32 $0.0e+00, v12;
	v12 =	vld [tilespmem:s0+$0x90];
	v18 =	vpop (erf);
	(erf) = vpow2.f32 v2  }
0x7d: {  	v2 =	vmul.f32 $1.442695020e+00, v6;
	v6 =	vsub.f32 $0.0e+00, v9;
	v9 =	vld [tilespmem:s0+$0xA0];
	v19 =	vpop (erf);
	(erf) = vpow2.f32 v3  }
0x7e: {  	v3 =	vmul.f32 $1.442695020e+00, v5;
	v5 =	vsub.f32 $0.0e+00, v10;
	v10 =	vld [tilespmem:s0+$0xB0];
	v20 =	vpop (erf);
	(erf) = vpow2.f32 v1  }
0x7f: {  	v1 =	vmul.f32 $1.442695020e+00, v6;
	v6 =	vsub.f32 $0.0e+00, v8;
	v8 =	vld [tilespmem:s0+$0xC0];
	(erf) = vpow2.f32 v0  }
0x80: {  	v0 =	vmul.f32 $1.442695020e+00, v5;
	v5 =	vsub.f32 $0.0e+00, v7;
	v7 =	vld [tilespmem:s0+$0xD0];
	v21 =	vpop (erf);
	(erf) = vpow2.f32 v4  }
0x81: {  	v4 =	vmul.f32 $1.442695020e+00, v6;
	v6 =	vsub.f32 $0.0e+00, v12;
	v12 =	vld [tilespmem:s0+$0xE0];
	(erf) = vpow2.f32 v2;
	v2 =	vpop (erf)  }
0x82: {  	v22 =	vld [tilespmem:s0+$0xFFFFFF00];
	v5 =	vmul.f32 $1.442695020e+00, v5;
	v23 =	vsub.f32 $0.0e+00, v9;
	[tilespmem:s0+$0xF0] =	vst v2;
	v2 =	vpop (erf);
	(erf) = vpow2.f32 v3  }
0x83: {  	v3 =	vmul.f32 $1.442695020e+00, v6;
	v6 =	vsub.f32 $0.0e+00, v10;
	v10 =	vpop (erf);
	(erf) = vpow2.f32 v1  }
0x84: {  	v1 =	vmul.f32 $1.442695020e+00, v23;
	v8 =	vsub.f32 $0.0e+00, v8;
	v9 =	vpop (erf);
	(erf) = vpow2.f32 v0  }
0x85: {  	v0 =	vmul.f32 $1.442695020e+00, v6;
	v6 =	vsub.f32 $0.0e+00, v7;
	v7 =	vpop (erf);
	(erf) = vpow2.f32 v4  }
0x86: {  	v4 =	vmul.f32 $1.442695020e+00, v8;
	v8 =	vsub.f32 $0.0e+00, v12;
	v12 =	vpop (erf);
	(erf) = vpow2.f32 v5  }
0x87: {  	v5 =	vsub.f32 $0.0e+00, v22;
	v6 =	vmul.f32 $1.442695020e+00, v6;
	v22 =	vpop (erf);
	(erf) = vpow2.f32 v3  }
0x88: {  	v3 =	vadd.f32 $1.000000000e+00, v11;
	v8 =	vmul.f32 $1.442695020e+00, v8;
	v11 =	vpop (erf);
	(erf) = vpow2.f32 v1  }
0x89: {  	v23 =	vmul.f32 $1.442695020e+00, v5;
	v5 =	vadd.f32 $1.000000000e+00, v13;
	v13 =	vpop (erf);
	(erf) = vpow2.f32 v0  }
0x8a: {  	v0 =	vadd.f32 $1.000000000e+00, v14;
	v14 =	vadd.f32 $1.000000000e+00, v15;
	v15 =	vpop (erf);
	(erf) = vpow2.f32 v4  }
0x8b: {  	v4 =	vadd.f32 $1.000000000e+00, v16;
	v16 =	vadd.f32 $1.000000000e+00, v17;
	(erf) = vpow2.f32 v23;
	v1 =	vpop (erf)  }
0x8c: {  	v17 =	vadd.f32 $1.000000000e+00, v18;
	v18 =	vadd.f32 $1.000000000e+00, v19;
	v19 =	vpop (erf);
	(erf) = vpow2.f32 v6  }
0x8d: {  	v20 =	vadd.f32 $1.000000000e+00, v20;
	v21 =	vadd.f32 $1.000000000e+00, v21;
	v6 =	vpop (erf);
	(erf) = vpow2.f32 v8  }
0x8e: {  	v10 =	vadd.f32 $1.000000000e+00, v10;
	v23 =	vadd.f32 $1.000000000e+00, v2;
	(erf) = vrcp.f32 v3;
	v2 =	vpop (erf)  }
0x8f: {  	v9 =	vadd.f32 $1.000000000e+00, v9;
	v24 =	vadd.f32 $1.000000000e+00, v7;
	(erf) = vrcp.f32 v5;
	v3 =	vpop (erf)  }
0x90: {  	v12 =	vadd.f32 $1.000000000e+00, v12;
	v22 =	vadd.f32 $1.000000000e+00, v22;
	(erf) = vrcp.f32 v0;
	v0 =	vpop (erf)  }
0x91: {  	v11 =	vadd.f32 $1.000000000e+00, v11;
	v13 =	vadd.f32 $1.000000000e+00, v13;
	(erf) = vrcp.f32 v14;
	v14 =	vpop (erf)  }
0x92: {  	v15 =	vadd.f32 $1.000000000e+00, v15;
	v25 =	vadd.f32 $1.000000000e+00, v1;
	(erf) = vrcp.f32 v4;
	v1 =	vpop (erf)  }
0x93: {  	v19 =	vadd.f32 $1.000000000e+00, v19;
	v8 =	vadd.f32 $1.000000000e+00, v6;
	(erf) = vrcp.f32 v16;
	v16 =	vpop (erf)  }
0x94: {  	v7 =	vadd.f32 $1.000000000e+00, v2;
	v5 =	vadd.f32 $1.000000000e+00, v3;
	v2 =	vpop (erf);
	(erf) = vrcp.f32 v17  }
0x95: {  	v6 =	vadd.f32 $1.000000000e+00, v0;
	v17 =	vadd.f32 $1.000000000e+00, v2;
	(erf) = vrcp.f32 v18;
	v0 =	vpop (erf)  }
0x96: {  	v4 =	vadd.f32 $1.000000000e+00, v14;
	v3 =	vadd.f32 $1.000000000e+00, v1;
	(erf) = vrcp.f32 v20;
	v14 =	vpop (erf)  }
0x97: {  	v2 =	vadd.f32 $1.000000000e+00, v16;
	v1 =	vadd.f32 $1.000000000e+00, v0;
	(erf) = vrcp.f32 v17;
	v0 =	vpop (erf)  }
0x98: {  	[tilespmem:s0+$0xFFFFFF10] =	vst v0;
	v0 =	vadd.f32 $1.000000000e+00, v14;
	v14 =	vpop (erf);
	(erf) = vrcp.f32 v21  }
0x99: {  	[tilespmem:s0+$0xFFFFFF20] =	vst v14;
	v14 =	vpop (erf);
	(erf) = vrcp.f32 v23  }
0x9a: {  	[tilespmem:s0+$0xFFFFFF30] =	vst v14;
	v14 =	vpop (erf);
	(erf) = vrcp.f32 v10  }
0x9b: {  	[tilespmem:s0+$0xFFFFFF40] =	vst v14;
	v10 =	vpop (erf);
	(erf) = vrcp.f32 v9  }
0x9c: {  	[tilespmem:s0+$0xFFFFFF50] =	vst v10;
	v9 =	vpop (erf);
	(erf) = vrcp.f32 v24  }
0x9d: {  	[tilespmem:s0+$0xFFFFFF60] =	vst v9;
	v9 =	vpop (erf);
	(erf) = vrcp.f32 v12  }
0x9e: {  	[tilespmem:s0+$0xFFFFFF70] =	vst v9;
	v9 =	vpop (erf);
	(erf) = vrcp.f32 v22  }
.Ltmp0:
0x9f: {  	[tilespmem:s0+$0xFFFFFF80] =	vst v9;
	v9 =	vpop (erf);
	(erf) = vrcp.f32 v11;
	(pc) =	sbr.rel @p0 .LBB2_2-.Ltmp0, $4  }
0xa0: {  	[tilespmem:s0+$0xFFFFFF90] =	vst v9;
	v9 =	vpop (erf);
	(erf) = vrcp.f32 v13  }
0xa1: {  	[tilespmem:s0+$0xFFFFFF00] =	vst v9;
	v9 =	vpop (erf);
	(erf) = vrcp.f32 v15  }
0xa2: {  	[tilespmem:s0+$0xFFFFFFA0] =	vst v9;
	v9 =	vpop (erf);
	(erf) = vrcp.f32 v25  }
0xa3: {  	s0 =	sadd.s32 $0x200, s0;
	[tilespmem:s30+$0xFFFFFFB0] =	vst v9;
	v9 =	vpop (erf);
	(erf) = vrcp.f32 v19  }
0xa4: {  	[tilespmem:s30+$0xFFFFFFC0] =	vst v9;
	v9 =	vpop (erf);
	(erf) = vrcp.f32 v8  }
0xa5: {  	[tilespmem:s30+$0xFFFFFFD0] =	vst v9;
	v8 =	vpop (erf);
	(erf) = vrcp.f32 v7  }
0xa6: {  	[tilespmem:s30+$0xFFFFFFE0] =	vst v8;
	v7 =	vpop (erf);
	(erf) = vrcp.f32 v5  }
0xa7: {  	[tilespmem:s30+$0xFFFFFFF0] =	vst v7;
	v5 =	vpop (erf);
	(erf) = vrcp.f32 v6  }
0xa8: {  	[tilespmem:s30+$0x0] =	vst v5;
	v5 =	vpop (erf);
	(erf) = vrcp.f32 v4  }
0xa9: {  	[tilespmem:s30+$0x10] =	vst v5;
	v4 =	vpop (erf);
	(erf) = vrcp.f32 v3  }
0xaa: {  	[tilespmem:s30+$0x20] =	vst v4;
	v3 =	vpop (erf);
	(erf) = vrcp.f32 v2  }
0xab: {  	[tilespmem:s30+$0x30] =	vst v3;
	v2 =	vpop (erf);
	(erf) = vrcp.f32 v1  }
0xac: {  	[tilespmem:s30+$0x40] =	vst v2;
	v1 =	vpop (erf);
	(erf) = vrcp.f32 v0  }
0xad: {  	[tilespmem:s30+$0x50] =	vst v1;
	v0 =	vpop (erf)  }
0xae: {  	[tilespmem:s30+$0x60] =	vst v0;
	v0 =	vpop (erf)  }
0xaf: {  	[tilespmem:s30+$0x70] =	vst v0;
	v0 =	vpop (erf)  }
0xb0: {  	[tilespmem:s30+$0x80] =	vst v0;
	v0 =	vpop (erf)  }
0xb1: {  	[tilespmem:s30+$0x90] =	vst v0;
	v0 =	vpop (erf)  }
0xb2: {  	[tilespmem:s30+$0xA0] =	vst v0;
	v0 =	vpop (erf)  }
0xb3: {  	[tilespmem:s30+$0xB0] =	vst v0;
	v0 =	vpop (erf)  }
0xb4: {  	[tilespmem:s30+$0xC0] =	vst v0;
	v0 =	vpop (erf)  }
0xb5: {  	[tilespmem:s30+$0xD0] =	vst v0;
	v0 =	vpop (erf)  }
0xb6: {  	[tilespmem:s30+$0xE0] =	vst v0  }
0xb7: {  	[hbm4b:s4+s3] =	stream.linear.scatter [tilespmem:s12], [sflag:$0x5], $0x4000, $0x38;
	[tilespmem:$0x10200] =	vst v63  }
0xb8: {  	_ =	swait.ge [sflag:s21], $0x5000  }
0xb9: {  	[sflag:s21] =	ssyncset.done $0x0  }
0xba: {  	s30 =	simm.s32 $0x4300;
	[sflag:s21] =	ssyncadd.s32 $0xFFFFB000  }
0xbb: {  	v0 =	vld [tilespmem:s30+$0xF0]  }
0xbc: {  	v1 =	vld [tilespmem:s30+$0xFFFFFF10]  }
0xbd: {  	v2 =	vld [tilespmem:s30+$0xFFFFFF20]  }
0xbe: {  	v3 =	vld [tilespmem:s30+$0xFFFFFF30]  }
0xbf: {  	v4 =	vld [tilespmem:s30+$0xFFFFFF40]  }
0xc0: {  	v5 =	vld [tilespmem:s30+$0xFFFFFF50];
	v0 =	vsub.f32 $0.0e+00, v0  }
0xc1: {  	v6 =	vld [tilespmem:s30+$0xFFFFFF60];
	v1 =	vsub.f32 $0.0e+00, v1  }
0xc2: {  	v7 =	vld [tilespmem:s30+$0xFFFFFF70];
	v2 =	vsub.f32 $0.0e+00, v2;
	v0 =	vmul.f32 $1.442695020e+00, v0  }
0xc3: {  	v8 =	vld [tilespmem:s30+$0xFFFFFF80];
	v3 =	vsub.f32 $0.0e+00, v3;
	v1 =	vmul.f32 $1.442695020e+00, v1  }
0xc4: {  	(erf) = vpow2.f32 v0;
	v0 =	vmul.f32 $1.442695020e+00, v2;
	v2 =	vsub.f32 $0.0e+00, v4  }
0xc5: {  	v5 =	vsub.f32 $0.0e+00, v5;
	v3 =	vmul.f32 $1.442695020e+00, v3;
	v4 =	vld [tilespmem:s30+$0xFFFFFF90]  }
0xc6: {  	(erf) = vpow2.f32 v1;
	v1 =	vmul.f32 $1.442695020e+00, v2;
	v2 =	vsub.f32 $0.0e+00, v6  }
0xc7: {  	v9 =	vld [tilespmem:s30+$0xFFFFFFA0];
	v5 =	vmul.f32 $1.442695020e+00, v5;
	(erf) = vpow2.f32 v0;
	v6 =	vsub.f32 $0.0e+00, v7  }
0xc8: {  	v0 =	vld [tilespmem:s30+$0xFFFFFFB0];
	v7 =	vsub.f32 $0.0e+00, v8;
	(erf) = vpow2.f32 v3;
	v2 =	vmul.f32 $1.442695020e+00, v2  }
0xc9: {  	v3 =	vld [tilespmem:s30+$0xFFFFFFC0];
	(erf) = vpow2.f32 v1;
	v6 =	vmul.f32 $1.442695020e+00, v6  }
0xca: {  	v1 =	vld [tilespmem:s30+$0xFFFFFFD0];
	v7 =	vmul.f32 $1.442695020e+00, v7;
	v4 =	vsub.f32 $0.0e+00, v4;
	(erf) = vpow2.f32 v5  }
0xcb: {  	v5 =	vld [tilespmem:s30+$0xFFFFFFE0];
	(erf) = vpow2.f32 v2  }
0xcc: {  	v8 =	vsub.f32 $0.0e+00, v9;
	v2 =	vld [tilespmem:s30+$0xFFFFFFF0];
	v4 =	vmul.f32 $1.442695020e+00, v4;
	(erf) = vpow2.f32 v6  }
0xcd: {  	v0 =	vsub.f32 $0.0e+00, v0;
	v6 =	vld [tilespmem:s30+$0x0];
	(erf) = vpow2.f32 v7  }
0xce: {  	v9 =	vld [tilespmem:s30+$0x10];
	v8 =	vmul.f32 $1.442695020e+00, v8;
	v3 =	vsub.f32 $0.0e+00, v3;
	v7 =	vpop (erf);
	(erf) = vpow2.f32 v4  }
0xcf: {  	v0 =	vmul.f32 $1.442695020e+00, v0;
	v1 =	vsub.f32 $0.0e+00, v1;
	v4 =	vadd.f32 $1.000000000e+00, v7;
	v7 =	vld [tilespmem:s30+$0x20]  }
0xd0: {  	v10 =	vpop (erf);
	(erf) = vpow2.f32 v8;
	v3 =	vmul.f32 $1.442695020e+00, v3;
	v5 =	vsub.f32 $0.0e+00, v5;
	v8 =	vld [tilespmem:s30+$0x30]  }
0xd1: {  	v11 =	vpop (erf);
	v1 =	vmul.f32 $1.442695020e+00, v1;
	v2 =	vsub.f32 $0.0e+00, v2;
	(erf) = vrcp.f32 v4  }
0xd2: {  	v4 =	vld [tilespmem:s30+$0x40];
	v12 =	vpop (erf);
	(erf) = vpow2.f32 v0;
	v0 =	vmul.f32 $1.442695020e+00, v5;
	v5 =	vsub.f32 $0.0e+00, v6  }
0xd3: {  	v6 =	vld [tilespmem:s30+$0x50];
	v13 =	vpop (erf);
	v2 =	vmul.f32 $1.442695020e+00, v2;
	(erf) = vpow2.f32 v3;
	v3 =	vsub.f32 $0.0e+00, v9  }
0xd4: {  	v9 =	vld [tilespmem:s30+$0x60];
	v14 =	vpop (erf);
	(erf) = vpow2.f32 v1;
	v1 =	vmul.f32 $1.442695020e+00, v5;
	v5 =	vsub.f32 $0.0e+00, v7  }
0xd5: {  	v7 =	vld [tilespmem:s30+$0x70];
	v15 =	vpop (erf);
	(erf) = vpow2.f32 v0;
	v0 =	vmul.f32 $1.442695020e+00, v3;
	v3 =	vsub.f32 $0.0e+00, v8  }
0xd6: {  	v8 =	vld [tilespmem:s30+$0x80];
	v16 =	vpop (erf);
	(erf) = vpow2.f32 v2;
	v2 =	vmul.f32 $1.442695020e+00, v5  }
0xd7: {  	v4 =	vsub.f32 $0.0e+00, v4;
	v5 =	vld [tilespmem:s30+$0x90];
	v17 =	vpop (erf);
	(erf) = vpow2.f32 v1;
	v1 =	vmul.f32 $1.442695020e+00, v3  }
0xd8: {  	v3 =	vsub.f32 $0.0e+00, v6;
	v6 =	vld [tilespmem:s30+$0xA0]  }
0xd9: {  	v18 =	vpop (erf);
	(erf) = vpow2.f32 v0;
	v0 =	vmul.f32 $1.442695020e+00, v4;
	v4 =	vsub.f32 $0.0e+00, v9;
	v9 =	vld [tilespmem:s30+$0xB0]  }
0xda: {  	v19 =	vpop (erf);
	(erf) = vpow2.f32 v2;
	v2 =	vmul.f32 $1.442695020e+00, v3;
	v3 =	vsub.f32 $0.0e+00, v7;
	v7 =	vld [tilespmem:s30+$0xC0]  }
0xdb: {  	v20 =	vld [tilespmem:s30+$0xFFFFFF00];
	(erf) = vpow2.f32 v1;
	v4 =	vmul.f32 $1.442695020e+00, v4;
	v8 =	vsub.f32 $0.0e+00, v8;
	v1 =	vpop (erf)  }
0xdc: {  	v3 =	vmul.f32 $1.442695020e+00, v3;
	v5 =	vsub.f32 $0.0e+00, v5;
	v21 =	vpop (erf);
	(erf) = vpow2.f32 v0;
	v0 =	vld [tilespmem:s30+$0xD0]  }
0xdd: {  	v8 =	vmul.f32 $1.442695020e+00, v8;
	v6 =	vsub.f32 $0.0e+00, v6;
	v22 =	vpop (erf);
	(erf) = vpow2.f32 v2;
	v2 =	vld [tilespmem:s30+$0xE0]  }
0xde: {  	v5 =	vmul.f32 $1.442695020e+00, v5;
	v9 =	vsub.f32 $0.0e+00, v9  }
0xdf: {  	(erf) = vpow2.f32 v4;
	v4 =	vpop (erf);
	v6 =	vmul.f32 $1.442695020e+00, v6;
	v7 =	vsub.f32 $0.0e+00, v7  }
0xe0: {  	v20 =	vsub.f32 $0.0e+00, v20;
	(erf) = vpow2.f32 v3;
	v3 =	vpop (erf);
	v9 =	vmul.f32 $1.442695020e+00, v9  }
0xe1: {  	(erf) = vpow2.f32 v8;
	v8 =	vpop (erf);
	v7 =	vmul.f32 $1.442695020e+00, v7;
	v0 =	vsub.f32 $0.0e+00, v0  }
0xe2: {  	v20 =	vmul.f32 $1.442695020e+00, v20;
	(erf) = vpow2.f32 v5;
	v5 =	vpop (erf);
	v2 =	vsub.f32 $0.0e+00, v2  }
0xe3: {  	(erf) = vpow2.f32 v6;
	v6 =	vpop (erf);
	v0 =	vmul.f32 $1.442695020e+00, v0  }
0xe4: {  	(erf) = vpow2.f32 v9;
	v9 =	vpop (erf);
	v2 =	vmul.f32 $1.442695020e+00, v2  }
0xe5: {  	v10 =	vadd.f32 $1.000000000e+00, v10;
	(erf) = vpow2.f32 v7;
	v7 =	vpop (erf)  }
0xe6: {  	v11 =	vadd.f32 $1.000000000e+00, v11;
	(erf) = vpow2.f32 v20;
	v50 =	vpop (erf)  }
0xe7: {  	(erf) = vpow2.f32 v0;
	v0 =	vpop (erf)  }
0xe8: {  	(erf) = vpow2.f32 v2;
	v2 =	vpop (erf)  }
0xe9: {  	v12 =	vadd.f32 $1.000000000e+00, v12;
	(erf) = vrcp.f32 v10;
	v10 =	vpop (erf)  }
0xea: {  	v13 =	vadd.f32 $1.000000000e+00, v13;
	(erf) = vrcp.f32 v11;
	v11 =	vpop (erf)  }
0xeb: {  	v14 =	vadd.f32 $1.000000000e+00, v14;
	(erf) = vrcp.f32 v12;
	v51 =	vpop (erf)  }
0xec: {  	v15 =	vadd.f32 $1.000000000e+00, v15;
	(erf) = vrcp.f32 v13;
	v52 =	vpop (erf)  }
0xed: {  	v16 =	vadd.f32 $1.000000000e+00, v16;
	(erf) = vrcp.f32 v14;
	v53 =	vpop (erf)  }
0xee: {  	v17 =	vadd.f32 $1.000000000e+00, v17;
	(erf) = vrcp.f32 v15;
	v54 =	vpop (erf)  }
0xef: {  	v18 =	vadd.f32 $1.000000000e+00, v18;
	(erf) = vrcp.f32 v16;
	v55 =	vpop (erf)  }
0xf0: {  	(erf) = vrcp.f32 v17;
	v16 =	vadd.f32 $1.000000000e+00, v55;
	v56 =	vpop (erf)  }
0xf1: {  	v19 =	vadd.f32 $1.000000000e+00, v19;
	(erf) = vrcp.f32 v18;
	v57 =	vpop (erf)  }
0xf2: {  	[tilespmem:s30+$0xF0] =	vst v1;
	v1 =	vadd.f32 $1.000000000e+00, v21;
	(erf) = vrcp.f32 v16;
	v58 =	vpop (erf)  }
0xf3: {  	v59 =	vadd.f32 $1.000000000e+00, v22;
	[tilespmem:s30+$0xFFFFFF10] =	vst v58;
	v60 =	vpop (erf);
	(erf) = vrcp.f32 v19  }
0xf4: {  	v4 =	vadd.f32 $1.000000000e+00, v4;
	[tilespmem:s30+$0xFFFFFF20] =	vst v60;
	v61 =	vpop (erf);
	(erf) = vrcp.f32 v1  }
0xf5: {  	v1 =	vadd.f32 $1.000000000e+00, v3;
	[tilespmem:s30+$0xFFFFFF30] =	vst v61;
	v3 =	vpop (erf);
	(erf) = vrcp.f32 v59  }
0xf6: {  	v8 =	vadd.f32 $1.000000000e+00, v8;
	[tilespmem:s30+$0xFFFFFF40] =	vst v3;
	v3 =	vpop (erf);
	(erf) = vrcp.f32 v4  }
0xf7: {  	v4 =	vadd.f32 $1.000000000e+00, v5;
	[tilespmem:s30+$0xFFFFFF50] =	vst v3;
	v3 =	vpop (erf);
	(erf) = vrcp.f32 v1  }
0xf8: {  	v62 =	vadd.f32 $1.000000000e+00, v50;
	v1 =	vadd.f32 $1.000000000e+00, v6;
	[tilespmem:s30+$0xFFFFFF60] =	vst v3;
	v3 =	vpop (erf);
	(erf) = vrcp.f32 v8  }
0xf9: {  	v6 =	vadd.f32 $1.000000000e+00, v9;
	v9 =	vadd.f32 $1.000000000e+00, v7;
	[tilespmem:s30+$0xFFFFFF70] =	vst v3;
	v3 =	vpop (erf);
	(erf) = vrcp.f32 v4  }
0xfa: {  	v63 =	vadd.f32 $1.000000000e+00, v0;
	v5 =	vadd.f32 $1.000000000e+00, v11;
	[tilespmem:s30+$0xFFFFFF80] =	vst v3;
	v0 =	vpop (erf);
	(erf) = vrcp.f32 v1  }
0xfb: {  	v7 =	vadd.f32 $1.000000000e+00, v10;
	v8 =	vadd.f32 $1.000000000e+00, v2;
	[tilespmem:s30+$0xFFFFFF90] =	vst v0;
	v0 =	vpop (erf);
	(erf) = vrcp.f32 v6  }
0xfc: {  	v2 =	vadd.f32 $1.000000000e+00, v54;
	v4 =	vadd.f32 $1.000000000e+00, v52;
	[tilespmem:s30+$0xFFFFFF00] =	vst v0;
	v0 =	vpop (erf);
	(erf) = vrcp.f32 v9  }
0xfd: {  	v3 =	vadd.f32 $1.000000000e+00, v53;
	v1 =	vadd.f32 $1.000000000e+00, v56;
	[tilespmem:s30+$0xFFFFFFA0] =	vst v0;
	v9 =	vpop (erf);
	(erf) = vrcp.f32 v62  }
0xfe: {  	s31 =	simm.s32 $0x0;
	s0 =	simm.s32 $0x4500;
	v6 =	vadd.f32 $1.000000000e+00, v51;
	v0 =	vadd.f32 $1.000000000e+00, v57;
	[tilespmem:s30+$0xFFFFFFB0] =	vst v9;
	v9 =	vpop (erf);
	(erf) = vrcp.f32 v63  }
.LBB2_4:
0xff: {  	v10 =	vld [tilespmem:s0+$0xF0];
	s31 =	sadd.s32 $0x4, s31;
	[tilespmem:s30+$0xFFFFFFC0] =	vst v9;
	v9 =	vpop (erf);
	(erf) = vrcp.f32 v8  }
0x100: {  	v8 =	vld [tilespmem:s0+$0xFFFFFF10];
	p0 =	slt.u32 s31, $0x9C;
	[tilespmem:s30+$0xFFFFFFD0] =	vst v9;
	v9 =	vpop (erf);
	(erf) = vrcp.f32 v7  }
0x101: {  	v7 =	vld [tilespmem:s0+$0xFFFFFF20];
	[tilespmem:s30+$0xFFFFFFE0] =	vst v9;
	v9 =	vpop (erf);
	(erf) = vrcp.f32 v5  }
0x102: {  	v5 =	vld [tilespmem:s0+$0xFFFFFF30];
	[tilespmem:s30+$0xFFFFFFF0] =	vst v9;
	v9 =	vpop (erf);
	(erf) = vrcp.f32 v6  }
0x103: {  	v6 =	vld [tilespmem:s0+$0xFFFFFF40];
	[tilespmem:s30+$0x0] =	vst v9;
	v9 =	vpop (erf);
	(erf) = vrcp.f32 v4  }
0x104: {  	v4 =	vld [tilespmem:s0+$0xFFFFFF50];
	v10 =	vsub.f32 $0.0e+00, v10;
	[tilespmem:s30+$0x10] =	vst v9;
	v9 =	vpop (erf);
	(erf) = vrcp.f32 v3  }
0x105: {  	v3 =	vsub.f32 $0.0e+00, v8;
	v8 =	vld [tilespmem:s0+$0xFFFFFF60];
	[tilespmem:s30+$0x20] =	vst v9;
	v9 =	vpop (erf);
	(erf) = vrcp.f32 v2  }
0x106: {  	v2 =	vsub.f32 $0.0e+00, v7;
	v7 =	vld [tilespmem:s0+$0xFFFFFF70];
	v10 =	vmul.f32 $1.442695020e+00, v10;
	[tilespmem:s30+$0x30] =	vst v9;
	v9 =	vpop (erf);
	(erf) = vrcp.f32 v1  }
0x107: {  	v11 =	vmul.f32 $1.442695020e+00, v3;
	v3 =	vsub.f32 $0.0e+00, v5;
	v5 =	vld [tilespmem:s0+$0xFFFFFF80];
	[tilespmem:s30+$0x40] =	vst v9;
	v9 =	vpop (erf);
	(erf) = vrcp.f32 v0  }
0x108: {  	v12 =	vmul.f32 $1.442695020e+00, v2;
	v2 =	vsub.f32 $0.0e+00, v6;
	v6 =	vld [tilespmem:s0+$0xFFFFFF90];
	(erf) = vpow2.f32 v10;
	[tilespmem:s30+$0x50] =	vst v9;
	v9 =	vpop (erf)  }
0x109: {  	v3 =	vmul.f32 $1.442695020e+00, v3;
	v4 =	vsub.f32 $0.0e+00, v4;
	v10 =	vld [tilespmem:s0+$0xFFFFFFA0];
	(erf) = vpow2.f32 v11;
	[tilespmem:s30+$0x60] =	vst v9;
	v1 =	vpop (erf)  }
0x10a: {  	v2 =	vmul.f32 $1.442695020e+00, v2;
	v8 =	vsub.f32 $0.0e+00, v8;
	v9 =	vld [tilespmem:s0+$0xFFFFFFB0];
	(erf) = vpow2.f32 v12;
	[tilespmem:s30+$0x70] =	vst v1;
	v0 =	vpop (erf)  }
0x10b: {  	v1 =	vmul.f32 $1.442695020e+00, v4;
	v4 =	vsub.f32 $0.0e+00, v7;
	v7 =	vld [tilespmem:s0+$0xFFFFFFC0];
	(erf) = vpow2.f32 v3;
	[tilespmem:s30+$0x80] =	vst v0;
	v0 =	vpop (erf)  }
0x10c: {  	v3 =	vmul.f32 $1.442695020e+00, v8;
	v5 =	vsub.f32 $0.0e+00, v5;
	v8 =	vld [tilespmem:s0+$0xFFFFFFD0];
	(erf) = vpow2.f32 v2;
	[tilespmem:s30+$0x90] =	vst v0;
	v0 =	vpop (erf)  }
0x10d: {  	v2 =	vmul.f32 $1.442695020e+00, v4;
	v4 =	vsub.f32 $0.0e+00, v6;
	v6 =	vld [tilespmem:s0+$0xFFFFFFE0];
	(erf) = vpow2.f32 v1;
	[tilespmem:s30+$0xA0] =	vst v0;
	v0 =	vpop (erf)  }
0x10e: {  	v1 =	vmul.f32 $1.442695020e+00, v5;
	v5 =	vsub.f32 $0.0e+00, v10;
	v10 =	vld [tilespmem:s0+$0xFFFFFFF0];
	(erf) = vpow2.f32 v3;
	[tilespmem:s30+$0xB0] =	vst v0;
	v0 =	vpop (erf)  }
0x10f: {  	v12 =	vmul.f32 $1.442695020e+00, v4;
	v4 =	vsub.f32 $0.0e+00, v9;
	v9 =	vld [tilespmem:s0+$0x0];
	(erf) = vpow2.f32 v2;
	[tilespmem:s30+$0xC0] =	vst v0;
	v0 =	vpop (erf)  }
0x110: {  	v2 =	vmul.f32 $1.442695020e+00, v5;
	v5 =	vsub.f32 $0.0e+00, v7;
	v7 =	vld [tilespmem:s0+$0x10];
	(erf) = vpow2.f32 v1;
	[tilespmem:s30+$0xD0] =	vst v0;
	v0 =	vpop (erf)  }
0x111: {  	v1 =	vmul.f32 $1.442695020e+00, v4;
	v4 =	vsub.f32 $0.0e+00, v8;
	v8 =	vld [tilespmem:s0+$0x20];
	(erf) = vpow2.f32 v12;
	v3 =	vpop (erf);
	[tilespmem:s30+$0xE0] =	vst v0;
	s30 =	smov.u32 s0  }
0x112: {  	v0 =	vmul.f32 $1.442695020e+00, v5;
	v5 =	vsub.f32 $0.0e+00, v6;
	v6 =	vld [tilespmem:s0+$0x30];
	v3 =	vadd.f32 $1.000000000e+00, v3;
	v11 =	vpop (erf)  }
0x113: {  	v4 =	vmul.f32 $1.442695020e+00, v4;
	v10 =	vsub.f32 $0.0e+00, v10;
	v12 =	vld [tilespmem:s0+$0x40];
	v13 =	vpop (erf);
	(erf) = vpow2.f32 v2  }
0x114: {  	v2 =	vmul.f32 $1.442695020e+00, v5;
	v5 =	vsub.f32 $0.0e+00, v9;
	v9 =	vld [tilespmem:s0+$0x50];
	v14 =	vpop (erf);
	(erf) = vrcp.f32 v3  }
0x115: {  	v3 =	vmul.f32 $1.442695020e+00, v10;
	v7 =	vsub.f32 $0.0e+00, v7;
	v10 =	vld [tilespmem:s0+$0x60];
	v15 =	vpop (erf);
	(erf) = vpow2.f32 v1  }
0x116: {  	v1 =	vmul.f32 $1.442695020e+00, v5;
	v5 =	vsub.f32 $0.0e+00, v8;
	v8 =	vld [tilespmem:s0+$0x70];
	v16 =	vpop (erf);
	(erf) = vpow2.f32 v0  }
0x117: {  	v0 =	vmul.f32 $1.442695020e+00, v7;
	v6 =	vsub.f32 $0.0e+00, v6;
	v7 =	vld [tilespmem:s0+$0x80];
	v17 =	vpop (erf);
	(erf) = vpow2.f32 v4  }
0x118: {  	v4 =	vmul.f32 $1.442695020e+00, v5;
	v5 =	vsub.f32 $0.0e+00, v12;
	v12 =	vld [tilespmem:s0+$0x90];
	v18 =	vpop (erf);
	(erf) = vpow2.f32 v2  }
0x119: {  	v2 =	vmul.f32 $1.442695020e+00, v6;
	v6 =	vsub.f32 $0.0e+00, v9;
	v9 =	vld [tilespmem:s0+$0xA0];
	v19 =	vpop (erf);
	(erf) = vpow2.f32 v3  }
0x11a: {  	v3 =	vmul.f32 $1.442695020e+00, v5;
	v5 =	vsub.f32 $0.0e+00, v10;
	v10 =	vld [tilespmem:s0+$0xB0];
	v20 =	vpop (erf);
	(erf) = vpow2.f32 v1  }
0x11b: {  	v1 =	vmul.f32 $1.442695020e+00, v6;
	v6 =	vsub.f32 $0.0e+00, v8;
	v8 =	vld [tilespmem:s0+$0xC0];
	(erf) = vpow2.f32 v0  }
0x11c: {  	v0 =	vmul.f32 $1.442695020e+00, v5;
	v5 =	vsub.f32 $0.0e+00, v7;
	v7 =	vld [tilespmem:s0+$0xD0];
	v21 =	vpop (erf);
	(erf) = vpow2.f32 v4  }
0x11d: {  	v4 =	vmul.f32 $1.442695020e+00, v6;
	v6 =	vsub.f32 $0.0e+00, v12;
	v12 =	vld [tilespmem:s0+$0xE0];
	(erf) = vpow2.f32 v2;
	v2 =	vpop (erf)  }
0x11e: {  	v22 =	vld [tilespmem:s0+$0xFFFFFF00];
	v5 =	vmul.f32 $1.442695020e+00, v5;
	v23 =	vsub.f32 $0.0e+00, v9;
	[tilespmem:s0+$0xF0] =	vst v2;
	v2 =	vpop (erf);
	(erf) = vpow2.f32 v3  }
0x11f: {  	v3 =	vmul.f32 $1.442695020e+00, v6;
	v6 =	vsub.f32 $0.0e+00, v10;
	v10 =	vpop (erf);
	(erf) = vpow2.f32 v1  }
0x120: {  	v1 =	vmul.f32 $1.442695020e+00, v23;
	v8 =	vsub.f32 $0.0e+00, v8;
	v9 =	vpop (erf);
	(erf) = vpow2.f32 v0  }
0x121: {  	v0 =	vmul.f32 $1.442695020e+00, v6;
	v6 =	vsub.f32 $0.0e+00, v7;
	v7 =	vpop (erf);
	(erf) = vpow2.f32 v4  }
0x122: {  	v4 =	vmul.f32 $1.442695020e+00, v8;
	v8 =	vsub.f32 $0.0e+00, v12;
	v12 =	vpop (erf);
	(erf) = vpow2.f32 v5  }
0x123: {  	v5 =	vsub.f32 $0.0e+00, v22;
	v6 =	vmul.f32 $1.442695020e+00, v6;
	v22 =	vpop (erf);
	(erf) = vpow2.f32 v3  }
0x124: {  	v3 =	vadd.f32 $1.000000000e+00, v11;
	v8 =	vmul.f32 $1.442695020e+00, v8;
	v11 =	vpop (erf);
	(erf) = vpow2.f32 v1  }
0x125: {  	v23 =	vmul.f32 $1.442695020e+00, v5;
	v5 =	vadd.f32 $1.000000000e+00, v13;
	v13 =	vpop (erf);
	(erf) = vpow2.f32 v0  }
0x126: {  	v0 =	vadd.f32 $1.000000000e+00, v14;
	v14 =	vadd.f32 $1.000000000e+00, v15;
	v15 =	vpop (erf);
	(erf) = vpow2.f32 v4  }
0x127: {  	v4 =	vadd.f32 $1.000000000e+00, v16;
	v16 =	vadd.f32 $1.000000000e+00, v17;
	(erf) = vpow2.f32 v23;
	v1 =	vpop (erf)  }
0x128: {  	v17 =	vadd.f32 $1.000000000e+00, v18;
	v18 =	vadd.f32 $1.000000000e+00, v19;
	v19 =	vpop (erf);
	(erf) = vpow2.f32 v6  }
0x129: {  	v20 =	vadd.f32 $1.000000000e+00, v20;
	v21 =	vadd.f32 $1.000000000e+00, v21;
	v6 =	vpop (erf);
	(erf) = vpow2.f32 v8  }
0x12a: {  	v10 =	vadd.f32 $1.000000000e+00, v10;
	v23 =	vadd.f32 $1.000000000e+00, v2;
	(erf) = vrcp.f32 v3;
	v2 =	vpop (erf)  }
0x12b: {  	v9 =	vadd.f32 $1.000000000e+00, v9;
	v24 =	vadd.f32 $1.000000000e+00, v7;
	(erf) = vrcp.f32 v5;
	v3 =	vpop (erf)  }
0x12c: {  	v12 =	vadd.f32 $1.000000000e+00, v12;
	v22 =	vadd.f32 $1.000000000e+00, v22;
	(erf) = vrcp.f32 v0;
	v0 =	vpop (erf)  }
0x12d: {  	v11 =	vadd.f32 $1.000000000e+00, v11;
	v13 =	vadd.f32 $1.000000000e+00, v13;
	(erf) = vrcp.f32 v14;
	v14 =	vpop (erf)  }
0x12e: {  	v15 =	vadd.f32 $1.000000000e+00, v15;
	v25 =	vadd.f32 $1.000000000e+00, v1;
	(erf) = vrcp.f32 v4;
	v1 =	vpop (erf)  }
0x12f: {  	v19 =	vadd.f32 $1.000000000e+00, v19;
	v8 =	vadd.f32 $1.000000000e+00, v6;
	(erf) = vrcp.f32 v16;
	v16 =	vpop (erf)  }
0x130: {  	v7 =	vadd.f32 $1.000000000e+00, v2;
	v5 =	vadd.f32 $1.000000000e+00, v3;
	v2 =	vpop (erf);
	(erf) = vrcp.f32 v17  }
0x131: {  	v6 =	vadd.f32 $1.000000000e+00, v0;
	v17 =	vadd.f32 $1.000000000e+00, v2;
	(erf) = vrcp.f32 v18;
	v0 =	vpop (erf)  }
0x132: {  	v4 =	vadd.f32 $1.000000000e+00, v14;
	v3 =	vadd.f32 $1.000000000e+00, v1;
	(erf) = vrcp.f32 v20;
	v14 =	vpop (erf)  }
0x133: {  	v2 =	vadd.f32 $1.000000000e+00, v16;
	v1 =	vadd.f32 $1.000000000e+00, v0;
	(erf) = vrcp.f32 v17;
	v0 =	vpop (erf)  }
0x134: {  	[tilespmem:s0+$0xFFFFFF10] =	vst v0;
	v0 =	vadd.f32 $1.000000000e+00, v14;
	v14 =	vpop (erf);
	(erf) = vrcp.f32 v21  }
0x135: {  	[tilespmem:s0+$0xFFFFFF20] =	vst v14;
	v14 =	vpop (erf);
	(erf) = vrcp.f32 v23  }
0x136: {  	[tilespmem:s0+$0xFFFFFF30] =	vst v14;
	v14 =	vpop (erf);
	(erf) = vrcp.f32 v10  }
0x137: {  	[tilespmem:s0+$0xFFFFFF40] =	vst v14;
	v10 =	vpop (erf);
	(erf) = vrcp.f32 v9  }
0x138: {  	[tilespmem:s0+$0xFFFFFF50] =	vst v10;
	v9 =	vpop (erf);
	(erf) = vrcp.f32 v24  }
0x139: {  	[tilespmem:s0+$0xFFFFFF60] =	vst v9;
	v9 =	vpop (erf);
	(erf) = vrcp.f32 v12  }
0x13a: {  	[tilespmem:s0+$0xFFFFFF70] =	vst v9;
	v9 =	vpop (erf);
	(erf) = vrcp.f32 v22  }
.Ltmp1:
0x13b: {  	[tilespmem:s0+$0xFFFFFF80] =	vst v9;
	v9 =	vpop (erf);
	(erf) = vrcp.f32 v11;
	(pc) =	sbr.rel @p0 .LBB2_4-.Ltmp1, $4  }
0x13c: {  	[tilespmem:s0+$0xFFFFFF90] =	vst v9;
	v9 =	vpop (erf);
	(erf) = vrcp.f32 v13  }
0x13d: {  	[tilespmem:s0+$0xFFFFFF00] =	vst v9;
	v9 =	vpop (erf);
	(erf) = vrcp.f32 v15  }
0x13e: {  	[tilespmem:s0+$0xFFFFFFA0] =	vst v9;
	v9 =	vpop (erf);
	(erf) = vrcp.f32 v25  }
0x13f: {  	s0 =	sadd.s32 $0x200, s0;
	[tilespmem:s30+$0xFFFFFFB0] =	vst v9;
	v9 =	vpop (erf);
	(erf) = vrcp.f32 v19  }
0x140: {  	[tilespmem:s30+$0xFFFFFFC0] =	vst v9;
	v9 =	vpop (erf);
	(erf) = vrcp.f32 v8  }
0x141: {  	[tilespmem:s30+$0xFFFFFFD0] =	vst v9;
	v8 =	vpop (erf);
	(erf) = vrcp.f32 v7  }
0x142: {  	[tilespmem:s30+$0xFFFFFFE0] =	vst v8;
	v7 =	vpop (erf);
	(erf) = vrcp.f32 v5  }
0x143: {  	[tilespmem:s30+$0xFFFFFFF0] =	vst v7;
	v5 =	vpop (erf);
	(erf) = vrcp.f32 v6  }
0x144: {  	[tilespmem:s30+$0x0] =	vst v5;
	v5 =	vpop (erf);
	(erf) = vrcp.f32 v4  }
0x145: {  	[tilespmem:s30+$0x10] =	vst v5;
	v4 =	vpop (erf);
	(erf) = vrcp.f32 v3  }
0x146: {  	[tilespmem:s30+$0x20] =	vst v4;
	v3 =	vpop (erf);
	(erf) = vrcp.f32 v2  }
0x147: {  	[tilespmem:s30+$0x30] =	vst v3;
	v2 =	vpop (erf);
	(erf) = vrcp.f32 v1  }
0x148: {  	[tilespmem:s30+$0x40] =	vst v2;
	v1 =	vpop (erf);
	(erf) = vrcp.f32 v0  }
0x149: {  	[tilespmem:s30+$0x50] =	vst v1;
	v0 =	vpop (erf)  }
0x14a: {  	[tilespmem:s30+$0x60] =	vst v0;
	v0 =	vpop (erf)  }
0x14b: {  	[tilespmem:s30+$0x70] =	vst v0;
	v0 =	vpop (erf)  }
0x14c: {  	[tilespmem:s30+$0x80] =	vst v0;
	v0 =	vpop (erf)  }
0x14d: {  	[tilespmem:s30+$0x90] =	vst v0;
	v0 =	vpop (erf)  }
0x14e: {  	[tilespmem:s30+$0xA0] =	vst v0;
	v0 =	vpop (erf)  }
0x14f: {  	[tilespmem:s30+$0xB0] =	vst v0;
	v0 =	vpop (erf)  }
0x150: {  	[tilespmem:s30+$0xC0] =	vst v0;
	v0 =	vpop (erf)  }
0x151: {  	[tilespmem:s30+$0xD0] =	vst v0;
	v0 =	vpop (erf)  }
0x152: {  	[tilespmem:s30+$0xE0] =	vst v0  }
0x153: {  	[hbm4b:s6+s3] =	stream.linear.scatter [tilespmem:s14], [sflag:$0x6], $0x5000, $0x38;
	[tilespmem:$0x10200] =	vst v63  }
0x154: {  	_ =	swait.ge [sflag:s22], $0x5000  }
0x155: {  	[sflag:s22] =	ssyncset.done $0x0  }
0x156: {  	s30 =	simm.s32 $0x9300;
	[sflag:s22] =	ssyncadd.s32 $0xFFFFB000  }
0x157: {  	v0 =	vld [tilespmem:s30+$0xF0]  }
0x158: {  	v1 =	vld [tilespmem:s30+$0xFFFFFF10]  }
0x159: {  	v2 =	vld [tilespmem:s30+$0xFFFFFF20]  }
0x15a: {  	v3 =	vld [tilespmem:s30+$0xFFFFFF30]  }
0x15b: {  	v4 =	vld [tilespmem:s30+$0xFFFFFF40]  }
0x15c: {  	v5 =	vld [tilespmem:s30+$0xFFFFFF50];
	v0 =	vsub.f32 $0.0e+00, v0  }
0x15d: {  	v6 =	vld [tilespmem:s30+$0xFFFFFF60];
	v1 =	vsub.f32 $0.0e+00, v1  }
0x15e: {  	v7 =	vld [tilespmem:s30+$0xFFFFFF70];
	v2 =	vsub.f32 $0.0e+00, v2;
	v0 =	vmul.f32 $1.442695020e+00, v0  }
0x15f: {  	v8 =	vld [tilespmem:s30+$0xFFFFFF80];
	v3 =	vsub.f32 $0.0e+00, v3;
	v1 =	vmul.f32 $1.442695020e+00, v1  }
0x160: {  	(erf) = vpow2.f32 v0;
	v0 =	vmul.f32 $1.442695020e+00, v2;
	v2 =	vsub.f32 $0.0e+00, v4  }
0x161: {  	v5 =	vsub.f32 $0.0e+00, v5;
	v3 =	vmul.f32 $1.442695020e+00, v3;
	v4 =	vld [tilespmem:s30+$0xFFFFFF90]  }
0x162: {  	(erf) = vpow2.f32 v1;
	v1 =	vmul.f32 $1.442695020e+00, v2;
	v2 =	vsub.f32 $0.0e+00, v6  }
0x163: {  	v9 =	vld [tilespmem:s30+$0xFFFFFFA0];
	v5 =	vmul.f32 $1.442695020e+00, v5;
	(erf) = vpow2.f32 v0;
	v6 =	vsub.f32 $0.0e+00, v7  }
0x164: {  	v0 =	vld [tilespmem:s30+$0xFFFFFFB0];
	v7 =	vsub.f32 $0.0e+00, v8;
	(erf) = vpow2.f32 v3;
	v2 =	vmul.f32 $1.442695020e+00, v2  }
0x165: {  	v3 =	vld [tilespmem:s30+$0xFFFFFFC0];
	(erf) = vpow2.f32 v1;
	v6 =	vmul.f32 $1.442695020e+00, v6  }
0x166: {  	v1 =	vld [tilespmem:s30+$0xFFFFFFD0];
	v7 =	vmul.f32 $1.442695020e+00, v7;
	v4 =	vsub.f32 $0.0e+00, v4;
	(erf) = vpow2.f32 v5  }
0x167: {  	v5 =	vld [tilespmem:s30+$0xFFFFFFE0];
	(erf) = vpow2.f32 v2  }
0x168: {  	v8 =	vsub.f32 $0.0e+00, v9;
	v2 =	vld [tilespmem:s30+$0xFFFFFFF0];
	v4 =	vmul.f32 $1.442695020e+00, v4;
	(erf) = vpow2.f32 v6  }
0x169: {  	v0 =	vsub.f32 $0.0e+00, v0;
	v6 =	vld [tilespmem:s30+$0x0];
	(erf) = vpow2.f32 v7  }
0x16a: {  	v9 =	vld [tilespmem:s30+$0x10];
	v8 =	vmul.f32 $1.442695020e+00, v8;
	v3 =	vsub.f32 $0.0e+00, v3;
	v7 =	vpop (erf);
	(erf) = vpow2.f32 v4  }
0x16b: {  	v0 =	vmul.f32 $1.442695020e+00, v0;
	v1 =	vsub.f32 $0.0e+00, v1;
	v4 =	vadd.f32 $1.000000000e+00, v7;
	v7 =	vld [tilespmem:s30+$0x20]  }
0x16c: {  	v10 =	vpop (erf);
	(erf) = vpow2.f32 v8;
	v3 =	vmul.f32 $1.442695020e+00, v3;
	v5 =	vsub.f32 $0.0e+00, v5;
	v8 =	vld [tilespmem:s30+$0x30]  }
0x16d: {  	v11 =	vpop (erf);
	v1 =	vmul.f32 $1.442695020e+00, v1;
	v2 =	vsub.f32 $0.0e+00, v2;
	(erf) = vrcp.f32 v4  }
0x16e: {  	v4 =	vld [tilespmem:s30+$0x40];
	v12 =	vpop (erf);
	(erf) = vpow2.f32 v0;
	v0 =	vmul.f32 $1.442695020e+00, v5;
	v5 =	vsub.f32 $0.0e+00, v6  }
0x16f: {  	v6 =	vld [tilespmem:s30+$0x50];
	v13 =	vpop (erf);
	v2 =	vmul.f32 $1.442695020e+00, v2;
	(erf) = vpow2.f32 v3;
	v3 =	vsub.f32 $0.0e+00, v9  }
0x170: {  	v9 =	vld [tilespmem:s30+$0x60];
	v14 =	vpop (erf);
	(erf) = vpow2.f32 v1;
	v1 =	vmul.f32 $1.442695020e+00, v5;
	v5 =	vsub.f32 $0.0e+00, v7  }
0x171: {  	v7 =	vld [tilespmem:s30+$0x70];
	v15 =	vpop (erf);
	(erf) = vpow2.f32 v0;
	v0 =	vmul.f32 $1.442695020e+00, v3;
	v3 =	vsub.f32 $0.0e+00, v8  }
0x172: {  	v8 =	vld [tilespmem:s30+$0x80];
	v16 =	vpop (erf);
	(erf) = vpow2.f32 v2;
	v2 =	vmul.f32 $1.442695020e+00, v5  }
0x173: {  	v4 =	vsub.f32 $0.0e+00, v4;
	v5 =	vld [tilespmem:s30+$0x90];
	v17 =	vpop (erf);
	(erf) = vpow2.f32 v1;
	v1 =	vmul.f32 $1.442695020e+00, v3  }
0x174: {  	v3 =	vsub.f32 $0.0e+00, v6;
	v6 =	vld [tilespmem:s30+$0xA0]  }
0x175: {  	v18 =	vpop (erf);
	(erf) = vpow2.f32 v0;
	v0 =	vmul.f32 $1.442695020e+00, v4;
	v4 =	vsub.f32 $0.0e+00, v9;
	v9 =	vld [tilespmem:s30+$0xB0]  }
0x176: {  	v19 =	vpop (erf);
	(erf) = vpow2.f32 v2;
	v2 =	vmul.f32 $1.442695020e+00, v3;
	v3 =	vsub.f32 $0.0e+00, v7;
	v7 =	vld [tilespmem:s30+$0xC0]  }
0x177: {  	v20 =	vld [tilespmem:s30+$0xFFFFFF00];
	(erf) = vpow2.f32 v1;
	v4 =	vmul.f32 $1.442695020e+00, v4;
	v8 =	vsub.f32 $0.0e+00, v8;
	v1 =	vpop (erf)  }
0x178: {  	v3 =	vmul.f32 $1.442695020e+00, v3;
	v5 =	vsub.f32 $0.0e+00, v5;
	v21 =	vpop (erf);
	(erf) = vpow2.f32 v0;
	v0 =	vld [tilespmem:s30+$0xD0]  }
0x179: {  	v8 =	vmul.f32 $1.442695020e+00, v8;
	v6 =	vsub.f32 $0.0e+00, v6;
	v22 =	vpop (erf);
	(erf) = vpow2.f32 v2;
	v2 =	vld [tilespmem:s30+$0xE0]  }
0x17a: {  	v5 =	vmul.f32 $1.442695020e+00, v5;
	v9 =	vsub.f32 $0.0e+00, v9  }
0x17b: {  	(erf) = vpow2.f32 v4;
	v4 =	vpop (erf);
	v6 =	vmul.f32 $1.442695020e+00, v6;
	v7 =	vsub.f32 $0.0e+00, v7  }
0x17c: {  	v20 =	vsub.f32 $0.0e+00, v20;
	(erf) = vpow2.f32 v3;
	v3 =	vpop (erf);
	v9 =	vmul.f32 $1.442695020e+00, v9  }
0x17d: {  	(erf) = vpow2.f32 v8;
	v8 =	vpop (erf);
	v7 =	vmul.f32 $1.442695020e+00, v7;
	v0 =	vsub.f32 $0.0e+00, v0  }
0x17e: {  	v20 =	vmul.f32 $1.442695020e+00, v20;
	(erf) = vpow2.f32 v5;
	v5 =	vpop (erf);
	v2 =	vsub.f32 $0.0e+00, v2  }
0x17f: {  	(erf) = vpow2.f32 v6;
	v6 =	vpop (erf);
	v0 =	vmul.f32 $1.442695020e+00, v0  }
0x180: {  	(erf) = vpow2.f32 v9;
	v9 =	vpop (erf);
	v2 =	vmul.f32 $1.442695020e+00, v2  }
0x181: {  	v10 =	vadd.f32 $1.000000000e+00, v10;
	(erf) = vpow2.f32 v7;
	v7 =	vpop (erf)  }
0x182: {  	v11 =	vadd.f32 $1.000000000e+00, v11;
	(erf) = vpow2.f32 v20;
	v50 =	vpop (erf)  }
0x183: {  	(erf) = vpow2.f32 v0;
	v0 =	vpop (erf)  }
0x184: {  	(erf) = vpow2.f32 v2;
	v2 =	vpop (erf)  }
0x185: {  	v12 =	vadd.f32 $1.000000000e+00, v12;
	(erf) = vrcp.f32 v10;
	v10 =	vpop (erf)  }
0x186: {  	v13 =	vadd.f32 $1.000000000e+00, v13;
	(erf) = vrcp.f32 v11;
	v11 =	vpop (erf)  }
0x187: {  	v14 =	vadd.f32 $1.000000000e+00, v14;
	(erf) = vrcp.f32 v12;
	v51 =	vpop (erf)  }
0x188: {  	v15 =	vadd.f32 $1.000000000e+00, v15;
	(erf) = vrcp.f32 v13;
	v52 =	vpop (erf)  }
0x189: {  	v16 =	vadd.f32 $1.000000000e+00, v16;
	(erf) = vrcp.f32 v14;
	v53 =	vpop (erf)  }
0x18a: {  	v17 =	vadd.f32 $1.000000000e+00, v17;
	(erf) = vrcp.f32 v15;
	v54 =	vpop (erf)  }
0x18b: {  	v18 =	vadd.f32 $1.000000000e+00, v18;
	(erf) = vrcp.f32 v16;
	v55 =	vpop (erf)  }
0x18c: {  	(erf) = vrcp.f32 v17;
	v16 =	vadd.f32 $1.000000000e+00, v55;
	v56 =	vpop (erf)  }
0x18d: {  	v19 =	vadd.f32 $1.000000000e+00, v19;
	(erf) = vrcp.f32 v18;
	v57 =	vpop (erf)  }
0x18e: {  	[tilespmem:s30+$0xF0] =	vst v1;
	v1 =	vadd.f32 $1.000000000e+00, v21;
	(erf) = vrcp.f32 v16;
	v58 =	vpop (erf)  }
0x18f: {  	v59 =	vadd.f32 $1.000000000e+00, v22;
	[tilespmem:s30+$0xFFFFFF10] =	vst v58;
	v60 =	vpop (erf);
	(erf) = vrcp.f32 v19  }
0x190: {  	v4 =	vadd.f32 $1.000000000e+00, v4;
	[tilespmem:s30+$0xFFFFFF20] =	vst v60;
	v61 =	vpop (erf);
	(erf) = vrcp.f32 v1  }
0x191: {  	v1 =	vadd.f32 $1.000000000e+00, v3;
	[tilespmem:s30+$0xFFFFFF30] =	vst v61;
	v3 =	vpop (erf);
	(erf) = vrcp.f32 v59  }
0x192: {  	v8 =	vadd.f32 $1.000000000e+00, v8;
	[tilespmem:s30+$0xFFFFFF40] =	vst v3;
	v3 =	vpop (erf);
	(erf) = vrcp.f32 v4  }
0x193: {  	v4 =	vadd.f32 $1.000000000e+00, v5;
	[tilespmem:s30+$0xFFFFFF50] =	vst v3;
	v3 =	vpop (erf);
	(erf) = vrcp.f32 v1  }
0x194: {  	v62 =	vadd.f32 $1.000000000e+00, v50;
	v1 =	vadd.f32 $1.000000000e+00, v6;
	[tilespmem:s30+$0xFFFFFF60] =	vst v3;
	v3 =	vpop (erf);
	(erf) = vrcp.f32 v8  }
0x195: {  	v6 =	vadd.f32 $1.000000000e+00, v9;
	v9 =	vadd.f32 $1.000000000e+00, v7;
	[tilespmem:s30+$0xFFFFFF70] =	vst v3;
	v3 =	vpop (erf);
	(erf) = vrcp.f32 v4  }
0x196: {  	v63 =	vadd.f32 $1.000000000e+00, v0;
	v5 =	vadd.f32 $1.000000000e+00, v11;
	[tilespmem:s30+$0xFFFFFF80] =	vst v3;
	v0 =	vpop (erf);
	(erf) = vrcp.f32 v1  }
0x197: {  	v7 =	vadd.f32 $1.000000000e+00, v10;
	v8 =	vadd.f32 $1.000000000e+00, v2;
	[tilespmem:s30+$0xFFFFFF90] =	vst v0;
	v0 =	vpop (erf);
	(erf) = vrcp.f32 v6  }
0x198: {  	v2 =	vadd.f32 $1.000000000e+00, v54;
	v4 =	vadd.f32 $1.000000000e+00, v52;
	[tilespmem:s30+$0xFFFFFF00] =	vst v0;
	v0 =	vpop (erf);
	(erf) = vrcp.f32 v9  }
0x199: {  	v3 =	vadd.f32 $1.000000000e+00, v53;
	v1 =	vadd.f32 $1.000000000e+00, v56;
	[tilespmem:s30+$0xFFFFFFA0] =	vst v0;
	v9 =	vpop (erf);
	(erf) = vrcp.f32 v62  }
0x19a: {  	s31 =	simm.s32 $0x0;
	s0 =	simm.s32 $0x9500;
	v6 =	vadd.f32 $1.000000000e+00, v51;
	v0 =	vadd.f32 $1.000000000e+00, v57;
	[tilespmem:s30+$0xFFFFFFB0] =	vst v9;
	v9 =	vpop (erf);
	(erf) = vrcp.f32 v63  }
.LBB2_6:
0x19b: {  	v10 =	vld [tilespmem:s0+$0xF0];
	s31 =	sadd.s32 $0x4, s31;
	[tilespmem:s30+$0xFFFFFFC0] =	vst v9;
	v9 =	vpop (erf);
	(erf) = vrcp.f32 v8  }
0x19c: {  	v8 =	vld [tilespmem:s0+$0xFFFFFF10];
	p0 =	slt.u32 s31, $0x9C;
	[tilespmem:s30+$0xFFFFFFD0] =	vst v9;
	v9 =	vpop (erf);
	(erf) = vrcp.f32 v7  }
0x19d: {  	v7 =	vld [tilespmem:s0+$0xFFFFFF20];
	[tilespmem:s30+$0xFFFFFFE0] =	vst v9;
	v9 =	vpop (erf);
	(erf) = vrcp.f32 v5  }
0x19e: {  	v5 =	vld [tilespmem:s0+$0xFFFFFF30];
	[tilespmem:s30+$0xFFFFFFF0] =	vst v9;
	v9 =	vpop (erf);
	(erf) = vrcp.f32 v6  }
0x19f: {  	v6 =	vld [tilespmem:s0+$0xFFFFFF40];
	[tilespmem:s30+$0x0] =	vst v9;
	v9 =	vpop (erf);
	(erf) = vrcp.f32 v4  }
0x1a0: {  	v4 =	vld [tilespmem:s0+$0xFFFFFF50];
	v10 =	vsub.f32 $0.0e+00, v10;
	[tilespmem:s30+$0x10] =	vst v9;
	v9 =	vpop (erf);
	(erf) = vrcp.f32 v3  }
0x1a1: {  	v3 =	vsub.f32 $0.0e+00, v8;
	v8 =	vld [tilespmem:s0+$0xFFFFFF60];
	[tilespmem:s30+$0x20] =	vst v9;
	v9 =	vpop (erf);
	(erf) = vrcp.f32 v2  }
0x1a2: {  	v2 =	vsub.f32 $0.0e+00, v7;
	v7 =	vld [tilespmem:s0+$0xFFFFFF70];
	v10 =	vmul.f32 $1.442695020e+00, v10;
	[tilespmem:s30+$0x30] =	vst v9;
	v9 =	vpop (erf);
	(erf) = vrcp.f32 v1  }
0x1a3: {  	v11 =	vmul.f32 $1.442695020e+00, v3;
	v3 =	vsub.f32 $0.0e+00, v5;
	v5 =	vld [tilespmem:s0+$0xFFFFFF80];
	[tilespmem:s30+$0x40] =	vst v9;
	v9 =	vpop (erf);
	(erf) = vrcp.f32 v0  }
0x1a4: {  	v12 =	vmul.f32 $1.442695020e+00, v2;
	v2 =	vsub.f32 $0.0e+00, v6;
	v6 =	vld [tilespmem:s0+$0xFFFFFF90];
	(erf) = vpow2.f32 v10;
	[tilespmem:s30+$0x50] =	vst v9;
	v9 =	vpop (erf)  }
0x1a5: {  	v3 =	vmul.f32 $1.442695020e+00, v3;
	v4 =	vsub.f32 $0.0e+00, v4;
	v10 =	vld [tilespmem:s0+$0xFFFFFFA0];
	(erf) = vpow2.f32 v11;
	[tilespmem:s30+$0x60] =	vst v9;
	v1 =	vpop (erf)  }
0x1a6: {  	v2 =	vmul.f32 $1.442695020e+00, v2;
	v8 =	vsub.f32 $0.0e+00, v8;
	v9 =	vld [tilespmem:s0+$0xFFFFFFB0];
	(erf) = vpow2.f32 v12;
	[tilespmem:s30+$0x70] =	vst v1;
	v0 =	vpop (erf)  }
0x1a7: {  	v1 =	vmul.f32 $1.442695020e+00, v4;
	v4 =	vsub.f32 $0.0e+00, v7;
	v7 =	vld [tilespmem:s0+$0xFFFFFFC0];
	(erf) = vpow2.f32 v3;
	[tilespmem:s30+$0x80] =	vst v0;
	v0 =	vpop (erf)  }
0x1a8: {  	v3 =	vmul.f32 $1.442695020e+00, v8;
	v5 =	vsub.f32 $0.0e+00, v5;
	v8 =	vld [tilespmem:s0+$0xFFFFFFD0];
	(erf) = vpow2.f32 v2;
	[tilespmem:s30+$0x90] =	vst v0;
	v0 =	vpop (erf)  }
0x1a9: {  	v2 =	vmul.f32 $1.442695020e+00, v4;
	v4 =	vsub.f32 $0.0e+00, v6;
	v6 =	vld [tilespmem:s0+$0xFFFFFFE0];
	(erf) = vpow2.f32 v1;
	[tilespmem:s30+$0xA0] =	vst v0;
	v0 =	vpop (erf)  }
0x1aa: {  	v1 =	vmul.f32 $1.442695020e+00, v5;
	v5 =	vsub.f32 $0.0e+00, v10;
	v10 =	vld [tilespmem:s0+$0xFFFFFFF0];
	(erf) = vpow2.f32 v3;
	[tilespmem:s30+$0xB0] =	vst v0;
	v0 =	vpop (erf)  }
0x1ab: {  	v12 =	vmul.f32 $1.442695020e+00, v4;
	v4 =	vsub.f32 $0.0e+00, v9;
	v9 =	vld [tilespmem:s0+$0x0];
	(erf) = vpow2.f32 v2;
	[tilespmem:s30+$0xC0] =	vst v0;
	v0 =	vpop (erf)  }
0x1ac: {  	v2 =	vmul.f32 $1.442695020e+00, v5;
	v5 =	vsub.f32 $0.0e+00, v7;
	v7 =	vld [tilespmem:s0+$0x10];
	(erf) = vpow2.f32 v1;
	[tilespmem:s30+$0xD0] =	vst v0;
	v0 =	vpop (erf)  }
0x1ad: {  	v1 =	vmul.f32 $1.442695020e+00, v4;
	v4 =	vsub.f32 $0.0e+00, v8;
	v8 =	vld [tilespmem:s0+$0x20];
	(erf) = vpow2.f32 v12;
	v3 =	vpop (erf);
	[tilespmem:s30+$0xE0] =	vst v0;
	s30 =	smov.u32 s0  }
0x1ae: {  	v0 =	vmul.f32 $1.442695020e+00, v5;
	v5 =	vsub.f32 $0.0e+00, v6;
	v6 =	vld [tilespmem:s0+$0x30];
	v3 =	vadd.f32 $1.000000000e+00, v3;
	v11 =	vpop (erf)  }
0x1af: {  	v4 =	vmul.f32 $1.442695020e+00, v4;
	v10 =	vsub.f32 $0.0e+00, v10;
	v12 =	vld [tilespmem:s0+$0x40];
	v13 =	vpop (erf);
	(erf) = vpow2.f32 v2  }
0x1b0: {  	v2 =	vmul.f32 $1.442695020e+00, v5;
	v5 =	vsub.f32 $0.0e+00, v9;
	v9 =	vld [tilespmem:s0+$0x50];
	v14 =	vpop (erf);
	(erf) = vrcp.f32 v3  }
0x1b1: {  	v3 =	vmul.f32 $1.442695020e+00, v10;
	v7 =	vsub.f32 $0.0e+00, v7;
	v10 =	vld [tilespmem:s0+$0x60];
	v15 =	vpop (erf);
	(erf) = vpow2.f32 v1  }
0x1b2: {  	v1 =	vmul.f32 $1.442695020e+00, v5;
	v5 =	vsub.f32 $0.0e+00, v8;
	v8 =	vld [tilespmem:s0+$0x70];
	v16 =	vpop (erf);
	(erf) = vpow2.f32 v0  }
0x1b3: {  	v0 =	vmul.f32 $1.442695020e+00, v7;
	v6 =	vsub.f32 $0.0e+00, v6;
	v7 =	vld [tilespmem:s0+$0x80];
	v17 =	vpop (erf);
	(erf) = vpow2.f32 v4  }
0x1b4: {  	v4 =	vmul.f32 $1.442695020e+00, v5;
	v5 =	vsub.f32 $0.0e+00, v12;
	v12 =	vld [tilespmem:s0+$0x90];
	v18 =	vpop (erf);
	(erf) = vpow2.f32 v2  }
0x1b5: {  	v2 =	vmul.f32 $1.442695020e+00, v6;
	v6 =	vsub.f32 $0.0e+00, v9;
	v9 =	vld [tilespmem:s0+$0xA0];
	v19 =	vpop (erf);
	(erf) = vpow2.f32 v3  }
0x1b6: {  	v3 =	vmul.f32 $1.442695020e+00, v5;
	v5 =	vsub.f32 $0.0e+00, v10;
	v10 =	vld [tilespmem:s0+$0xB0];
	v20 =	vpop (erf);
	(erf) = vpow2.f32 v1  }
0x1b7: {  	v1 =	vmul.f32 $1.442695020e+00, v6;
	v6 =	vsub.f32 $0.0e+00, v8;
	v8 =	vld [tilespmem:s0+$0xC0];
	(erf) = vpow2.f32 v0  }
0x1b8: {  	v0 =	vmul.f32 $1.442695020e+00, v5;
	v5 =	vsub.f32 $0.0e+00, v7;
	v7 =	vld [tilespmem:s0+$0xD0];
	v21 =	vpop (erf);
	(erf) = vpow2.f32 v4  }
0x1b9: {  	v4 =	vmul.f32 $1.442695020e+00, v6;
	v6 =	vsub.f32 $0.0e+00, v12;
	v12 =	vld [tilespmem:s0+$0xE0];
	(erf) = vpow2.f32 v2;
	v2 =	vpop (erf)  }
0x1ba: {  	v22 =	vld [tilespmem:s0+$0xFFFFFF00];
	v5 =	vmul.f32 $1.442695020e+00, v5;
	v23 =	vsub.f32 $0.0e+00, v9;
	[tilespmem:s0+$0xF0] =	vst v2;
	v2 =	vpop (erf);
	(erf) = vpow2.f32 v3  }
0x1bb: {  	v3 =	vmul.f32 $1.442695020e+00, v6;
	v6 =	vsub.f32 $0.0e+00, v10;
	v10 =	vpop (erf);
	(erf) = vpow2.f32 v1  }
0x1bc: {  	v1 =	vmul.f32 $1.442695020e+00, v23;
	v8 =	vsub.f32 $0.0e+00, v8;
	v9 =	vpop (erf);
	(erf) = vpow2.f32 v0  }
0x1bd: {  	v0 =	vmul.f32 $1.442695020e+00, v6;
	v6 =	vsub.f32 $0.0e+00, v7;
	v7 =	vpop (erf);
	(erf) = vpow2.f32 v4  }
0x1be: {  	v4 =	vmul.f32 $1.442695020e+00, v8;
	v8 =	vsub.f32 $0.0e+00, v12;
	v12 =	vpop (erf);
	(erf) = vpow2.f32 v5  }
0x1bf: {  	v5 =	vsub.f32 $0.0e+00, v22;
	v6 =	vmul.f32 $1.442695020e+00, v6;
	v22 =	vpop (erf);
	(erf) = vpow2.f32 v3  }
0x1c0: {  	v3 =	vadd.f32 $1.000000000e+00, v11;
	v8 =	vmul.f32 $1.442695020e+00, v8;
	v11 =	vpop (erf);
	(erf) = vpow2.f32 v1  }
0x1c1: {  	v23 =	vmul.f32 $1.442695020e+00, v5;
	v5 =	vadd.f32 $1.000000000e+00, v13;
	v13 =	vpop (erf);
	(erf) = vpow2.f32 v0  }
0x1c2: {  	v0 =	vadd.f32 $1.000000000e+00, v14;
	v14 =	vadd.f32 $1.000000000e+00, v15;
	v15 =	vpop (erf);
	(erf) = vpow2.f32 v4  }
0x1c3: {  	v4 =	vadd.f32 $1.000000000e+00, v16;
	v16 =	vadd.f32 $1.000000000e+00, v17;
	(erf) = vpow2.f32 v23;
	v1 =	vpop (erf)  }
0x1c4: {  	v17 =	vadd.f32 $1.000000000e+00, v18;
	v18 =	vadd.f32 $1.000000000e+00, v19;
	v19 =	vpop (erf);
	(erf) = vpow2.f32 v6  }
0x1c5: {  	v20 =	vadd.f32 $1.000000000e+00, v20;
	v21 =	vadd.f32 $1.000000000e+00, v21;
	v6 =	vpop (erf);
	(erf) = vpow2.f32 v8  }
0x1c6: {  	v10 =	vadd.f32 $1.000000000e+00, v10;
	v23 =	vadd.f32 $1.000000000e+00, v2;
	(erf) = vrcp.f32 v3;
	v2 =	vpop (erf)  }
0x1c7: {  	v9 =	vadd.f32 $1.000000000e+00, v9;
	v24 =	vadd.f32 $1.000000000e+00, v7;
	(erf) = vrcp.f32 v5;
	v3 =	vpop (erf)  }
0x1c8: {  	v12 =	vadd.f32 $1.000000000e+00, v12;
	v22 =	vadd.f32 $1.000000000e+00, v22;
	(erf) = vrcp.f32 v0;
	v0 =	vpop (erf)  }
0x1c9: {  	v11 =	vadd.f32 $1.000000000e+00, v11;
	v13 =	vadd.f32 $1.000000000e+00, v13;
	(erf) = vrcp.f32 v14;
	v14 =	vpop (erf)  }
0x1ca: {  	v15 =	vadd.f32 $1.000000000e+00, v15;
	v25 =	vadd.f32 $1.000000000e+00, v1;
	(erf) = vrcp.f32 v4;
	v1 =	vpop (erf)  }
0x1cb: {  	v19 =	vadd.f32 $1.000000000e+00, v19;
	v8 =	vadd.f32 $1.000000000e+00, v6;
	(erf) = vrcp.f32 v16;
	v16 =	vpop (erf)  }
0x1cc: {  	v7 =	vadd.f32 $1.000000000e+00, v2;
	v5 =	vadd.f32 $1.000000000e+00, v3;
	v2 =	vpop (erf);
	(erf) = vrcp.f32 v17  }
0x1cd: {  	v6 =	vadd.f32 $1.000000000e+00, v0;
	v17 =	vadd.f32 $1.000000000e+00, v2;
	(erf) = vrcp.f32 v18;
	v0 =	vpop (erf)  }
0x1ce: {  	v4 =	vadd.f32 $1.000000000e+00, v14;
	v3 =	vadd.f32 $1.000000000e+00, v1;
	(erf) = vrcp.f32 v20;
	v14 =	vpop (erf)  }
0x1cf: {  	v2 =	vadd.f32 $1.000000000e+00, v16;
	v1 =	vadd.f32 $1.000000000e+00, v0;
	(erf) = vrcp.f32 v17;
	v0 =	vpop (erf)  }
0x1d0: {  	[tilespmem:s0+$0xFFFFFF10] =	vst v0;
	v0 =	vadd.f32 $1.000000000e+00, v14;
	v14 =	vpop (erf);
	(erf) = vrcp.f32 v21  }
0x1d1: {  	[tilespmem:s0+$0xFFFFFF20] =	vst v14;
	v14 =	vpop (erf);
	(erf) = vrcp.f32 v23  }
0x1d2: {  	[tilespmem:s0+$0xFFFFFF30] =	vst v14;
	v14 =	vpop (erf);
	(erf) = vrcp.f32 v10  }
0x1d3: {  	[tilespmem:s0+$0xFFFFFF40] =	vst v14;
	v10 =	vpop (erf);
	(erf) = vrcp.f32 v9  }
0x1d4: {  	[tilespmem:s0+$0xFFFFFF50] =	vst v10;
	v9 =	vpop (erf);
	(erf) = vrcp.f32 v24  }
0x1d5: {  	[tilespmem:s0+$0xFFFFFF60] =	vst v9;
	v9 =	vpop (erf);
	(erf) = vrcp.f32 v12  }
0x1d6: {  	[tilespmem:s0+$0xFFFFFF70] =	vst v9;
	v9 =	vpop (erf);
	(erf) = vrcp.f32 v22  }
.Ltmp2:
0x1d7: {  	[tilespmem:s0+$0xFFFFFF80] =	vst v9;
	v9 =	vpop (erf);
	(erf) = vrcp.f32 v11;
	(pc) =	sbr.rel @p0 .LBB2_6-.Ltmp2, $4  }
0x1d8: {  	[tilespmem:s0+$0xFFFFFF90] =	vst v9;
	v9 =	vpop (erf);
	(erf) = vrcp.f32 v13  }
0x1d9: {  	[tilespmem:s0+$0xFFFFFF00] =	vst v9;
	v9 =	vpop (erf);
	(erf) = vrcp.f32 v15  }
0x1da: {  	[tilespmem:s0+$0xFFFFFFA0] =	vst v9;
	v9 =	vpop (erf);
	(erf) = vrcp.f32 v25  }
0x1db: {  	s0 =	sadd.s32 $0x200, s0;
	[tilespmem:s30+$0xFFFFFFB0] =	vst v9;
	v9 =	vpop (erf);
	(erf) = vrcp.f32 v19  }
0x1dc: {  	[tilespmem:s30+$0xFFFFFFC0] =	vst v9;
	v9 =	vpop (erf);
	(erf) = vrcp.f32 v8  }
0x1dd: {  	[tilespmem:s30+$0xFFFFFFD0] =	vst v9;
	v8 =	vpop (erf);
	(erf) = vrcp.f32 v7  }
0x1de: {  	[tilespmem:s30+$0xFFFFFFE0] =	vst v8;
	v7 =	vpop (erf);
	(erf) = vrcp.f32 v5  }
0x1df: {  	[tilespmem:s30+$0xFFFFFFF0] =	vst v7;
	v5 =	vpop (erf);
	(erf) = vrcp.f32 v6  }
0x1e0: {  	[tilespmem:s30+$0x0] =	vst v5;
	v5 =	vpop (erf);
	(erf) = vrcp.f32 v4  }
0x1e1: {  	[tilespmem:s30+$0x10] =	vst v5;
	v4 =	vpop (erf);
	(erf) = vrcp.f32 v3  }
0x1e2: {  	[tilespmem:s30+$0x20] =	vst v4;
	v3 =	vpop (erf);
	(erf) = vrcp.f32 v2  }
0x1e3: {  	[tilespmem:s30+$0x30] =	vst v3;
	v2 =	vpop (erf);
	(erf) = vrcp.f32 v1  }
0x1e4: {  	[tilespmem:s30+$0x40] =	vst v2;
	v1 =	vpop (erf);
	(erf) = vrcp.f32 v0  }
0x1e5: {  	[tilespmem:s30+$0x50] =	vst v1;
	v0 =	vpop (erf)  }
0x1e6: {  	[tilespmem:s30+$0x60] =	vst v0;
	v0 =	vpop (erf)  }
0x1e7: {  	[tilespmem:s30+$0x70] =	vst v0;
	v0 =	vpop (erf)  }
0x1e8: {  	[tilespmem:s30+$0x80] =	vst v0;
	v0 =	vpop (erf)  }
0x1e9: {  	[tilespmem:s30+$0x90] =	vst v0;
	v0 =	vpop (erf)  }
0x1ea: {  	[tilespmem:s30+$0xA0] =	vst v0;
	v0 =	vpop (erf)  }
0x1eb: {  	[tilespmem:s30+$0xB0] =	vst v0;
	v0 =	vpop (erf)  }
0x1ec: {  	[tilespmem:s30+$0xC0] =	vst v0;
	v0 =	vpop (erf)  }
0x1ed: {  	[tilespmem:s30+$0xD0] =	vst v0;
	v0 =	vpop (erf)  }
0x1ee: {  	[tilespmem:s30+$0xE0] =	vst v0  }
0x1ef: {  	[hbm4b:s7+s3] =	stream.linear.scatter [tilespmem:s16], [sflag:$0x7], $0x5000, $0x38;
	[tilespmem:$0x10200] =	vst v63  }
0x1f0: {  	_ =	swait.ge [sflag:s23], $0x2000  }
0x1f1: {  	[sflag:s23] =	ssyncset.done $0x0  }
0x1f2: {  	s30 =	simm.s32 $0xE300;
	[sflag:s23] =	ssyncadd.s32 $0xFFFFE000  }
0x1f3: {  	v0 =	vld [tilespmem:s30+$0xF0]  }
0x1f4: {  	v1 =	vld [tilespmem:s30+$0xFFFFFF10]  }
0x1f5: {  	v2 =	vld [tilespmem:s30+$0xFFFFFF20]  }
0x1f6: {  	v3 =	vld [tilespmem:s30+$0xFFFFFF30]  }
0x1f7: {  	v4 =	vld [tilespmem:s30+$0xFFFFFF40]  }
0x1f8: {  	v5 =	vld [tilespmem:s30+$0xFFFFFF50];
	v0 =	vsub.f32 $0.0e+00, v0  }
0x1f9: {  	v6 =	vld [tilespmem:s30+$0xFFFFFF60];
	v1 =	vsub.f32 $0.0e+00, v1  }
0x1fa: {  	v7 =	vld [tilespmem:s30+$0xFFFFFF70];
	v2 =	vsub.f32 $0.0e+00, v2;
	v0 =	vmul.f32 $1.442695020e+00, v0  }
0x1fb: {  	v8 =	vld [tilespmem:s30+$0xFFFFFF80];
	v3 =	vsub.f32 $0.0e+00, v3;
	v1 =	vmul.f32 $1.442695020e+00, v1  }
0x1fc: {  	(erf) = vpow2.f32 v0;
	v0 =	vmul.f32 $1.442695020e+00, v2;
	v2 =	vsub.f32 $0.0e+00, v4  }
0x1fd: {  	v5 =	vsub.f32 $0.0e+00, v5;
	v3 =	vmul.f32 $1.442695020e+00, v3;
	v4 =	vld [tilespmem:s30+$0xFFFFFF90]  }
0x1fe: {  	(erf) = vpow2.f32 v1;
	v1 =	vmul.f32 $1.442695020e+00, v2;
	v2 =	vsub.f32 $0.0e+00, v6  }
0x1ff: {  	v9 =	vld [tilespmem:s30+$0xFFFFFFA0];
	v5 =	vmul.f32 $1.442695020e+00, v5;
	(erf) = vpow2.f32 v0;
	v6 =	vsub.f32 $0.0e+00, v7  }
0x200: {  	v0 =	vld [tilespmem:s30+$0xFFFFFFB0];
	v7 =	vsub.f32 $0.0e+00, v8;
	(erf) = vpow2.f32 v3;
	v2 =	vmul.f32 $1.442695020e+00, v2  }
0x201: {  	v3 =	vld [tilespmem:s30+$0xFFFFFFC0];
	(erf) = vpow2.f32 v1;
	v6 =	vmul.f32 $1.442695020e+00, v6  }
0x202: {  	v1 =	vld [tilespmem:s30+$0xFFFFFFD0];
	v7 =	vmul.f32 $1.442695020e+00, v7;
	v4 =	vsub.f32 $0.0e+00, v4;
	(erf) = vpow2.f32 v5  }
0x203: {  	v5 =	vld [tilespmem:s30+$0xFFFFFFE0];
	(erf) = vpow2.f32 v2  }
0x204: {  	v8 =	vsub.f32 $0.0e+00, v9;
	v2 =	vld [tilespmem:s30+$0xFFFFFFF0];
	v4 =	vmul.f32 $1.442695020e+00, v4;
	(erf) = vpow2.f32 v6  }
0x205: {  	v0 =	vsub.f32 $0.0e+00, v0;
	v6 =	vld [tilespmem:s30+$0x0];
	(erf) = vpow2.f32 v7  }
0x206: {  	v9 =	vld [tilespmem:s30+$0x10];
	v8 =	vmul.f32 $1.442695020e+00, v8;
	v3 =	vsub.f32 $0.0e+00, v3;
	v7 =	vpop (erf);
	(erf) = vpow2.f32 v4  }
0x207: {  	v0 =	vmul.f32 $1.442695020e+00, v0;
	v1 =	vsub.f32 $0.0e+00, v1;
	v4 =	vadd.f32 $1.000000000e+00, v7;
	v7 =	vld [tilespmem:s30+$0x20]  }
0x208: {  	v10 =	vpop (erf);
	(erf) = vpow2.f32 v8;
	v3 =	vmul.f32 $1.442695020e+00, v3;
	v5 =	vsub.f32 $0.0e+00, v5;
	v8 =	vld [tilespmem:s30+$0x30]  }
0x209: {  	v11 =	vpop (erf);
	v1 =	vmul.f32 $1.442695020e+00, v1;
	v2 =	vsub.f32 $0.0e+00, v2;
	(erf) = vrcp.f32 v4  }
0x20a: {  	v4 =	vld [tilespmem:s30+$0x40];
	v12 =	vpop (erf);
	(erf) = vpow2.f32 v0;
	v0 =	vmul.f32 $1.442695020e+00, v5;
	v5 =	vsub.f32 $0.0e+00, v6  }
0x20b: {  	v6 =	vld [tilespmem:s30+$0x50];
	v13 =	vpop (erf);
	v2 =	vmul.f32 $1.442695020e+00, v2;
	(erf) = vpow2.f32 v3;
	v3 =	vsub.f32 $0.0e+00, v9  }
0x20c: {  	v9 =	vld [tilespmem:s30+$0x60];
	v14 =	vpop (erf);
	(erf) = vpow2.f32 v1;
	v1 =	vmul.f32 $1.442695020e+00, v5;
	v5 =	vsub.f32 $0.0e+00, v7  }
0x20d: {  	v7 =	vld [tilespmem:s30+$0x70];
	v15 =	vpop (erf);
	(erf) = vpow2.f32 v0;
	v0 =	vmul.f32 $1.442695020e+00, v3;
	v3 =	vsub.f32 $0.0e+00, v8  }
0x20e: {  	v8 =	vld [tilespmem:s30+$0x80];
	v16 =	vpop (erf);
	(erf) = vpow2.f32 v2;
	v2 =	vmul.f32 $1.442695020e+00, v5  }
0x20f: {  	v4 =	vsub.f32 $0.0e+00, v4;
	v5 =	vld [tilespmem:s30+$0x90];
	v17 =	vpop (erf);
	(erf) = vpow2.f32 v1;
	v1 =	vmul.f32 $1.442695020e+00, v3  }
0x210: {  	v3 =	vsub.f32 $0.0e+00, v6;
	v6 =	vld [tilespmem:s30+$0xA0]  }
0x211: {  	v18 =	vpop (erf);
	(erf) = vpow2.f32 v0;
	v0 =	vmul.f32 $1.442695020e+00, v4;
	v4 =	vsub.f32 $0.0e+00, v9;
	v9 =	vld [tilespmem:s30+$0xB0]  }
0x212: {  	v19 =	vpop (erf);
	(erf) = vpow2.f32 v2;
	v2 =	vmul.f32 $1.442695020e+00, v3;
	v3 =	vsub.f32 $0.0e+00, v7;
	v7 =	vld [tilespmem:s30+$0xC0]  }
0x213: {  	v20 =	vld [tilespmem:s30+$0xFFFFFF00];
	(erf) = vpow2.f32 v1;
	v4 =	vmul.f32 $1.442695020e+00, v4;
	v8 =	vsub.f32 $0.0e+00, v8;
	v1 =	vpop (erf)  }
0x214: {  	v3 =	vmul.f32 $1.442695020e+00, v3;
	v5 =	vsub.f32 $0.0e+00, v5;
	v21 =	vpop (erf);
	(erf) = vpow2.f32 v0;
	v0 =	vld [tilespmem:s30+$0xD0]  }
0x215: {  	v8 =	vmul.f32 $1.442695020e+00, v8;
	v6 =	vsub.f32 $0.0e+00, v6;
	v22 =	vpop (erf);
	(erf) = vpow2.f32 v2;
	v2 =	vld [tilespmem:s30+$0xE0]  }
0x216: {  	v5 =	vmul.f32 $1.442695020e+00, v5;
	v9 =	vsub.f32 $0.0e+00, v9  }
0x217: {  	(erf) = vpow2.f32 v4;
	v4 =	vpop (erf);
	v6 =	vmul.f32 $1.442695020e+00, v6;
	v7 =	vsub.f32 $0.0e+00, v7  }
0x218: {  	v20 =	vsub.f32 $0.0e+00, v20;
	(erf) = vpow2.f32 v3;
	v3 =	vpop (erf);
	v9 =	vmul.f32 $1.442695020e+00, v9  }
0x219: {  	(erf) = vpow2.f32 v8;
	v8 =	vpop (erf);
	v7 =	vmul.f32 $1.442695020e+00, v7;
	v0 =	vsub.f32 $0.0e+00, v0  }
0x21a: {  	v20 =	vmul.f32 $1.442695020e+00, v20;
	(erf) = vpow2.f32 v5;
	v5 =	vpop (erf);
	v2 =	vsub.f32 $0.0e+00, v2  }
0x21b: {  	(erf) = vpow2.f32 v6;
	v6 =	vpop (erf);
	v0 =	vmul.f32 $1.442695020e+00, v0  }
0x21c: {  	(erf) = vpow2.f32 v9;
	v9 =	vpop (erf);
	v2 =	vmul.f32 $1.442695020e+00, v2  }
0x21d: {  	v10 =	vadd.f32 $1.000000000e+00, v10;
	(erf) = vpow2.f32 v7;
	v7 =	vpop (erf)  }
0x21e: {  	v11 =	vadd.f32 $1.000000000e+00, v11;
	(erf) = vpow2.f32 v20;
	v50 =	vpop (erf)  }
0x21f: {  	(erf) = vpow2.f32 v0;
	v0 =	vpop (erf)  }
0x220: {  	(erf) = vpow2.f32 v2;
	v2 =	vpop (erf)  }
0x221: {  	v12 =	vadd.f32 $1.000000000e+00, v12;
	(erf) = vrcp.f32 v10;
	v10 =	vpop (erf)  }
0x222: {  	v13 =	vadd.f32 $1.000000000e+00, v13;
	(erf) = vrcp.f32 v11;
	v11 =	vpop (erf)  }
0x223: {  	v14 =	vadd.f32 $1.000000000e+00, v14;
	(erf) = vrcp.f32 v12;
	v51 =	vpop (erf)  }
0x224: {  	v15 =	vadd.f32 $1.000000000e+00, v15;
	(erf) = vrcp.f32 v13;
	v52 =	vpop (erf)  }
0x225: {  	v16 =	vadd.f32 $1.000000000e+00, v16;
	(erf) = vrcp.f32 v14;
	v53 =	vpop (erf)  }
0x226: {  	v17 =	vadd.f32 $1.000000000e+00, v17;
	(erf) = vrcp.f32 v15;
	v54 =	vpop (erf)  }
0x227: {  	v18 =	vadd.f32 $1.000000000e+00, v18;
	(erf) = vrcp.f32 v16;
	v55 =	vpop (erf)  }
0x228: {  	(erf) = vrcp.f32 v17;
	v16 =	vadd.f32 $1.000000000e+00, v55;
	v56 =	vpop (erf)  }
0x229: {  	v19 =	vadd.f32 $1.000000000e+00, v19;
	(erf) = vrcp.f32 v18;
	v57 =	vpop (erf)  }
0x22a: {  	[tilespmem:s30+$0xF0] =	vst v1;
	v1 =	vadd.f32 $1.000000000e+00, v21;
	(erf) = vrcp.f32 v16;
	v58 =	vpop (erf)  }
0x22b: {  	v59 =	vadd.f32 $1.000000000e+00, v22;
	[tilespmem:s30+$0xFFFFFF10] =	vst v58;
	v60 =	vpop (erf);
	(erf) = vrcp.f32 v19  }
0x22c: {  	v4 =	vadd.f32 $1.000000000e+00, v4;
	[tilespmem:s30+$0xFFFFFF20] =	vst v60;
	v61 =	vpop (erf);
	(erf) = vrcp.f32 v1  }
0x22d: {  	v1 =	vadd.f32 $1.000000000e+00, v3;
	[tilespmem:s30+$0xFFFFFF30] =	vst v61;
	v3 =	vpop (erf);
	(erf) = vrcp.f32 v59  }
0x22e: {  	v8 =	vadd.f32 $1.000000000e+00, v8;
	[tilespmem:s30+$0xFFFFFF40] =	vst v3;
	v3 =	vpop (erf);
	(erf) = vrcp.f32 v4  }
0x22f: {  	v4 =	vadd.f32 $1.000000000e+00, v5;
	[tilespmem:s30+$0xFFFFFF50] =	vst v3;
	v3 =	vpop (erf);
	(erf) = vrcp.f32 v1  }
0x230: {  	v62 =	vadd.f32 $1.000000000e+00, v50;
	v1 =	vadd.f32 $1.000000000e+00, v6;
	[tilespmem:s30+$0xFFFFFF60] =	vst v3;
	v3 =	vpop (erf);
	(erf) = vrcp.f32 v8  }
0x231: {  	v6 =	vadd.f32 $1.000000000e+00, v9;
	v9 =	vadd.f32 $1.000000000e+00, v7;
	[tilespmem:s30+$0xFFFFFF70] =	vst v3;
	v3 =	vpop (erf);
	(erf) = vrcp.f32 v4  }
0x232: {  	v63 =	vadd.f32 $1.000000000e+00, v0;
	v5 =	vadd.f32 $1.000000000e+00, v11;
	[tilespmem:s30+$0xFFFFFF80] =	vst v3;
	v0 =	vpop (erf);
	(erf) = vrcp.f32 v1  }
0x233: {  	v7 =	vadd.f32 $1.000000000e+00, v10;
	v8 =	vadd.f32 $1.000000000e+00, v2;
	[tilespmem:s30+$0xFFFFFF90] =	vst v0;
	v0 =	vpop (erf);
	(erf) = vrcp.f32 v6  }
0x234: {  	v2 =	vadd.f32 $1.000000000e+00, v54;
	v4 =	vadd.f32 $1.000000000e+00, v52;
	[tilespmem:s30+$0xFFFFFF00] =	vst v0;
	v0 =	vpop (erf);
	(erf) = vrcp.f32 v9  }
0x235: {  	v3 =	vadd.f32 $1.000000000e+00, v53;
	v1 =	vadd.f32 $1.000000000e+00, v56;
	[tilespmem:s30+$0xFFFFFFA0] =	vst v0;
	v9 =	vpop (erf);
	(erf) = vrcp.f32 v62  }
0x236: {  	s31 =	simm.s32 $0x0;
	s0 =	simm.s32 $0xE500;
	v6 =	vadd.f32 $1.000000000e+00, v51;
	v0 =	vadd.f32 $1.000000000e+00, v57;
	[tilespmem:s30+$0xFFFFFFB0] =	vst v9;
	v9 =	vpop (erf);
	(erf) = vrcp.f32 v63  }
.LBB2_8:
0x237: {  	v10 =	vld [tilespmem:s0+$0xF0];
	s31 =	sadd.s32 $0x4, s31;
	[tilespmem:s30+$0xFFFFFFC0] =	vst v9;
	v9 =	vpop (erf);
	(erf) = vrcp.f32 v8  }
0x238: {  	v8 =	vld [tilespmem:s0+$0xFFFFFF10];
	p0 =	slt.u32 s31, $0x3C;
	[tilespmem:s30+$0xFFFFFFD0] =	vst v9;
	v9 =	vpop (erf);
	(erf) = vrcp.f32 v7  }
0x239: {  	v7 =	vld [tilespmem:s0+$0xFFFFFF20];
	[tilespmem:s30+$0xFFFFFFE0] =	vst v9;
	v9 =	vpop (erf);
	(erf) = vrcp.f32 v5  }
0x23a: {  	v5 =	vld [tilespmem:s0+$0xFFFFFF30];
	[tilespmem:s30+$0xFFFFFFF0] =	vst v9;
	v9 =	vpop (erf);
	(erf) = vrcp.f32 v6  }
0x23b: {  	v6 =	vld [tilespmem:s0+$0xFFFFFF40];
	[tilespmem:s30+$0x0] =	vst v9;
	v9 =	vpop (erf);
	(erf) = vrcp.f32 v4  }
0x23c: {  	v4 =	vld [tilespmem:s0+$0xFFFFFF50];
	v10 =	vsub.f32 $0.0e+00, v10;
	[tilespmem:s30+$0x10] =	vst v9;
	v9 =	vpop (erf);
	(erf) = vrcp.f32 v3  }
0x23d: {  	v3 =	vsub.f32 $0.0e+00, v8;
	v8 =	vld [tilespmem:s0+$0xFFFFFF60];
	[tilespmem:s30+$0x20] =	vst v9;
	v9 =	vpop (erf);
	(erf) = vrcp.f32 v2  }
0x23e: {  	v2 =	vsub.f32 $0.0e+00, v7;
	v7 =	vld [tilespmem:s0+$0xFFFFFF70];
	v10 =	vmul.f32 $1.442695020e+00, v10;
	[tilespmem:s30+$0x30] =	vst v9;
	v9 =	vpop (erf);
	(erf) = vrcp.f32 v1  }
0x23f: {  	v11 =	vmul.f32 $1.442695020e+00, v3;
	v3 =	vsub.f32 $0.0e+00, v5;
	v5 =	vld [tilespmem:s0+$0xFFFFFF80];
	[tilespmem:s30+$0x40] =	vst v9;
	v9 =	vpop (erf);
	(erf) = vrcp.f32 v0  }
0x240: {  	v12 =	vmul.f32 $1.442695020e+00, v2;
	v2 =	vsub.f32 $0.0e+00, v6;
	v6 =	vld [tilespmem:s0+$0xFFFFFF90];
	(erf) = vpow2.f32 v10;
	[tilespmem:s30+$0x50] =	vst v9;
	v9 =	vpop (erf)  }
0x241: {  	v3 =	vmul.f32 $1.442695020e+00, v3;
	v4 =	vsub.f32 $0.0e+00, v4;
	v10 =	vld [tilespmem:s0+$0xFFFFFFA0];
	(erf) = vpow2.f32 v11;
	[tilespmem:s30+$0x60] =	vst v9;
	v1 =	vpop (erf)  }
0x242: {  	v2 =	vmul.f32 $1.442695020e+00, v2;
	v8 =	vsub.f32 $0.0e+00, v8;
	v9 =	vld [tilespmem:s0+$0xFFFFFFB0];
	(erf) = vpow2.f32 v12;
	[tilespmem:s30+$0x70] =	vst v1;
	v0 =	vpop (erf)  }
0x243: {  	v1 =	vmul.f32 $1.442695020e+00, v4;
	v4 =	vsub.f32 $0.0e+00, v7;
	v7 =	vld [tilespmem:s0+$0xFFFFFFC0];
	(erf) = vpow2.f32 v3;
	[tilespmem:s30+$0x80] =	vst v0;
	v0 =	vpop (erf)  }
0x244: {  	v3 =	vmul.f32 $1.442695020e+00, v8;
	v5 =	vsub.f32 $0.0e+00, v5;
	v8 =	vld [tilespmem:s0+$0xFFFFFFD0];
	(erf) = vpow2.f32 v2;
	[tilespmem:s30+$0x90] =	vst v0;
	v0 =	vpop (erf)  }
0x245: {  	v2 =	vmul.f32 $1.442695020e+00, v4;
	v4 =	vsub.f32 $0.0e+00, v6;
	v6 =	vld [tilespmem:s0+$0xFFFFFFE0];
	(erf) = vpow2.f32 v1;
	[tilespmem:s30+$0xA0] =	vst v0;
	v0 =	vpop (erf)  }
0x246: {  	v1 =	vmul.f32 $1.442695020e+00, v5;
	v5 =	vsub.f32 $0.0e+00, v10;
	v10 =	vld [tilespmem:s0+$0xFFFFFFF0];
	(erf) = vpow2.f32 v3;
	[tilespmem:s30+$0xB0] =	vst v0;
	v0 =	vpop (erf)  }
0x247: {  	v12 =	vmul.f32 $1.442695020e+00, v4;
	v4 =	vsub.f32 $0.0e+00, v9;
	v9 =	vld [tilespmem:s0+$0x0];
	(erf) = vpow2.f32 v2;
	[tilespmem:s30+$0xC0] =	vst v0;
	v0 =	vpop (erf)  }
0x248: {  	v2 =	vmul.f32 $1.442695020e+00, v5;
	v5 =	vsub.f32 $0.0e+00, v7;
	v7 =	vld [tilespmem:s0+$0x10];
	(erf) = vpow2.f32 v1;
	[tilespmem:s30+$0xD0] =	vst v0;
	v0 =	vpop (erf)  }
0x249: {  	v1 =	vmul.f32 $1.442695020e+00, v4;
	v4 =	vsub.f32 $0.0e+00, v8;
	v8 =	vld [tilespmem:s0+$0x20];
	(erf) = vpow2.f32 v12;
	v3 =	vpop (erf);
	[tilespmem:s30+$0xE0] =	vst v0;
	s30 =	smov.u32 s0  }
0x24a: {  	v0 =	vmul.f32 $1.442695020e+00, v5;
	v5 =	vsub.f32 $0.0e+00, v6;
	v6 =	vld [tilespmem:s0+$0x30];
	v3 =	vadd.f32 $1.000000000e+00, v3;
	v11 =	vpop (erf)  }
0x24b: {  	v4 =	vmul.f32 $1.442695020e+00, v4;
	v10 =	vsub.f32 $0.0e+00, v10;
	v12 =	vld [tilespmem:s0+$0x40];
	v13 =	vpop (erf);
	(erf) = vpow2.f32 v2  }
0x24c: {  	v2 =	vmul.f32 $1.442695020e+00, v5;
	v5 =	vsub.f32 $0.0e+00, v9;
	v9 =	vld [tilespmem:s0+$0x50];
	v14 =	vpop (erf);
	(erf) = vrcp.f32 v3  }
0x24d: {  	v3 =	vmul.f32 $1.442695020e+00, v10;
	v7 =	vsub.f32 $0.0e+00, v7;
	v10 =	vld [tilespmem:s0+$0x60];
	v15 =	vpop (erf);
	(erf) = vpow2.f32 v1  }
0x24e: {  	v1 =	vmul.f32 $1.442695020e+00, v5;
	v5 =	vsub.f32 $0.0e+00, v8;
	v8 =	vld [tilespmem:s0+$0x70];
	v16 =	vpop (erf);
	(erf) = vpow2.f32 v0  }
0x24f: {  	v0 =	vmul.f32 $1.442695020e+00, v7;
	v6 =	vsub.f32 $0.0e+00, v6;
	v7 =	vld [tilespmem:s0+$0x80];
	v17 =	vpop (erf);
	(erf) = vpow2.f32 v4  }
0x250: {  	v4 =	vmul.f32 $1.442695020e+00, v5;
	v5 =	vsub.f32 $0.0e+00, v12;
	v12 =	vld [tilespmem:s0+$0x90];
	v18 =	vpop (erf);
	(erf) = vpow2.f32 v2  }
0x251: {  	v2 =	vmul.f32 $1.442695020e+00, v6;
	v6 =	vsub.f32 $0.0e+00, v9;
	v9 =	vld [tilespmem:s0+$0xA0];
	v19 =	vpop (erf);
	(erf) = vpow2.f32 v3  }
0x252: {  	v3 =	vmul.f32 $1.442695020e+00, v5;
	v5 =	vsub.f32 $0.0e+00, v10;
	v10 =	vld [tilespmem:s0+$0xB0];
	v20 =	vpop (erf);
	(erf) = vpow2.f32 v1  }
0x253: {  	v1 =	vmul.f32 $1.442695020e+00, v6;
	v6 =	vsub.f32 $0.0e+00, v8;
	v8 =	vld [tilespmem:s0+$0xC0];
	(erf) = vpow2.f32 v0  }
0x254: {  	v0 =	vmul.f32 $1.442695020e+00, v5;
	v5 =	vsub.f32 $0.0e+00, v7;
	v7 =	vld [tilespmem:s0+$0xD0];
	v21 =	vpop (erf);
	(erf) = vpow2.f32 v4  }
0x255: {  	v4 =	vmul.f32 $1.442695020e+00, v6;
	v6 =	vsub.f32 $0.0e+00, v12;
	v12 =	vld [tilespmem:s0+$0xE0];
	(erf) = vpow2.f32 v2;
	v2 =	vpop (erf)  }
0x256: {  	v22 =	vld [tilespmem:s0+$0xFFFFFF00];
	v5 =	vmul.f32 $1.442695020e+00, v5;
	v23 =	vsub.f32 $0.0e+00, v9;
	[tilespmem:s0+$0xF0] =	vst v2;
	v2 =	vpop (erf);
	(erf) = vpow2.f32 v3  }
0x257: {  	v3 =	vmul.f32 $1.442695020e+00, v6;
	v6 =	vsub.f32 $0.0e+00, v10;
	v10 =	vpop (erf);
	(erf) = vpow2.f32 v1  }
0x258: {  	v1 =	vmul.f32 $1.442695020e+00, v23;
	v8 =	vsub.f32 $0.0e+00, v8;
	v9 =	vpop (erf);
	(erf) = vpow2.f32 v0  }
0x259: {  	v0 =	vmul.f32 $1.442695020e+00, v6;
	v6 =	vsub.f32 $0.0e+00, v7;
	v7 =	vpop (erf);
	(erf) = vpow2.f32 v4  }
0x25a: {  	v4 =	vmul.f32 $1.442695020e+00, v8;
	v8 =	vsub.f32 $0.0e+00, v12;
	v12 =	vpop (erf);
	(erf) = vpow2.f32 v5  }
0x25b: {  	v5 =	vsub.f32 $0.0e+00, v22;
	v6 =	vmul.f32 $1.442695020e+00, v6;
	v22 =	vpop (erf);
	(erf) = vpow2.f32 v3  }
0x25c: {  	v3 =	vadd.f32 $1.000000000e+00, v11;
	v8 =	vmul.f32 $1.442695020e+00, v8;
	v11 =	vpop (erf);
	(erf) = vpow2.f32 v1  }
0x25d: {  	v23 =	vmul.f32 $1.442695020e+00, v5;
	v5 =	vadd.f32 $1.000000000e+00, v13;
	v13 =	vpop (erf);
	(erf) = vpow2.f32 v0  }
0x25e: {  	v0 =	vadd.f32 $1.000000000e+00, v14;
	v14 =	vadd.f32 $1.000000000e+00, v15;
	v15 =	vpop (erf);
	(erf) = vpow2.f32 v4  }
0x25f: {  	v4 =	vadd.f32 $1.000000000e+00, v16;
	v16 =	vadd.f32 $1.000000000e+00, v17;
	(erf) = vpow2.f32 v23;
	v1 =	vpop (erf)  }
0x260: {  	v17 =	vadd.f32 $1.000000000e+00, v18;
	v18 =	vadd.f32 $1.000000000e+00, v19;
	v19 =	vpop (erf);
	(erf) = vpow2.f32 v6  }
0x261: {  	v20 =	vadd.f32 $1.000000000e+00, v20;
	v21 =	vadd.f32 $1.000000000e+00, v21;
	v6 =	vpop (erf);
	(erf) = vpow2.f32 v8  }
0x262: {  	v10 =	vadd.f32 $1.000000000e+00, v10;
	v23 =	vadd.f32 $1.000000000e+00, v2;
	(erf) = vrcp.f32 v3;
	v2 =	vpop (erf)  }
0x263: {  	v9 =	vadd.f32 $1.000000000e+00, v9;
	v24 =	vadd.f32 $1.000000000e+00, v7;
	(erf) = vrcp.f32 v5;
	v3 =	vpop (erf)  }
0x264: {  	v12 =	vadd.f32 $1.000000000e+00, v12;
	v22 =	vadd.f32 $1.000000000e+00, v22;
	(erf) = vrcp.f32 v0;
	v0 =	vpop (erf)  }
0x265: {  	v11 =	vadd.f32 $1.000000000e+00, v11;
	v13 =	vadd.f32 $1.000000000e+00, v13;
	(erf) = vrcp.f32 v14;
	v14 =	vpop (erf)  }
0x266: {  	v15 =	vadd.f32 $1.000000000e+00, v15;
	v25 =	vadd.f32 $1.000000000e+00, v1;
	(erf) = vrcp.f32 v4;
	v1 =	vpop (erf)  }
0x267: {  	v19 =	vadd.f32 $1.000000000e+00, v19;
	v8 =	vadd.f32 $1.000000000e+00, v6;
	(erf) = vrcp.f32 v16;
	v16 =	vpop (erf)  }
0x268: {  	v7 =	vadd.f32 $1.000000000e+00, v2;
	v5 =	vadd.f32 $1.000000000e+00, v3;
	v2 =	vpop (erf);
	(erf) = vrcp.f32 v17  }
0x269: {  	v6 =	vadd.f32 $1.000000000e+00, v0;
	v17 =	vadd.f32 $1.000000000e+00, v2;
	(erf) = vrcp.f32 v18;
	v0 =	vpop (erf)  }
0x26a: {  	v4 =	vadd.f32 $1.000000000e+00, v14;
	v3 =	vadd.f32 $1.000000000e+00, v1;
	(erf) = vrcp.f32 v20;
	v14 =	vpop (erf)  }
0x26b: {  	v2 =	vadd.f32 $1.000000000e+00, v16;
	v1 =	vadd.f32 $1.000000000e+00, v0;
	(erf) = vrcp.f32 v17;
	v0 =	vpop (erf)  }
0x26c: {  	[tilespmem:s0+$0xFFFFFF10] =	vst v0;
	v0 =	vadd.f32 $1.000000000e+00, v14;
	v14 =	vpop (erf);
	(erf) = vrcp.f32 v21  }
0x26d: {  	[tilespmem:s0+$0xFFFFFF20] =	vst v14;
	v14 =	vpop (erf);
	(erf) = vrcp.f32 v23  }
0x26e: {  	[tilespmem:s0+$0xFFFFFF30] =	vst v14;
	v14 =	vpop (erf);
	(erf) = vrcp.f32 v10  }
0x26f: {  	[tilespmem:s0+$0xFFFFFF40] =	vst v14;
	v10 =	vpop (erf);
	(erf) = vrcp.f32 v9  }
0x270: {  	[tilespmem:s0+$0xFFFFFF50] =	vst v10;
	v9 =	vpop (erf);
	(erf) = vrcp.f32 v24  }
0x271: {  	[tilespmem:s0+$0xFFFFFF60] =	vst v9;
	v9 =	vpop (erf);
	(erf) = vrcp.f32 v12  }
0x272: {  	[tilespmem:s0+$0xFFFFFF70] =	vst v9;
	v9 =	vpop (erf);
	(erf) = vrcp.f32 v22  }
.Ltmp3:
0x273: {  	[tilespmem:s0+$0xFFFFFF80] =	vst v9;
	v9 =	vpop (erf);
	(erf) = vrcp.f32 v11;
	(pc) =	sbr.rel @p0 .LBB2_8-.Ltmp3, $4  }
0x274: {  	[tilespmem:s0+$0xFFFFFF90] =	vst v9;
	v9 =	vpop (erf);
	(erf) = vrcp.f32 v13  }
0x275: {  	[tilespmem:s0+$0xFFFFFF00] =	vst v9;
	v9 =	vpop (erf);
	(erf) = vrcp.f32 v15  }
0x276: {  	[tilespmem:s0+$0xFFFFFFA0] =	vst v9;
	v9 =	vpop (erf);
	(erf) = vrcp.f32 v25  }
0x277: {  	s0 =	sadd.s32 $0x200, s0;
	[tilespmem:s30+$0xFFFFFFB0] =	vst v9;
	v9 =	vpop (erf);
	(erf) = vrcp.f32 v19  }
0x278: {  	[tilespmem:s30+$0xFFFFFFC0] =	vst v9;
	v46 =	vpop (erf);
	(erf) = vrcp.f32 v8  }
0x279: {  	[tilespmem:s30+$0xFFFFFFD0] =	vst v46;
	v47 =	vpop (erf);
	(erf) = vrcp.f32 v7  }
0x27a: {  	[tilespmem:s30+$0xFFFFFFE0] =	vst v47;
	v48 =	vpop (erf);
	(erf) = vrcp.f32 v5  }
0x27b: {  	[tilespmem:s30+$0xFFFFFFF0] =	vst v48;
	v49 =	vpop (erf);
	(erf) = vrcp.f32 v6  }
0x27c: {  	[tilespmem:s30+$0x0] =	vst v49;
	v50 =	vpop (erf);
	(erf) = vrcp.f32 v4  }
0x27d: {  	[tilespmem:s30+$0x10] =	vst v50;
	v51 =	vpop (erf);
	(erf) = vrcp.f32 v3  }
0x27e: {  	[tilespmem:s30+$0x20] =	vst v51;
	v52 =	vpop (erf);
	(erf) = vrcp.f32 v2  }
0x27f: {  	[tilespmem:s30+$0x30] =	vst v52;
	v53 =	vpop (erf);
	(erf) = vrcp.f32 v1  }
0x280: {  	[tilespmem:s30+$0x40] =	vst v53;
	v54 =	vpop (erf);
	(erf) = vrcp.f32 v0  }
0x281: {  	[tilespmem:s30+$0x50] =	vst v54;
	v55 =	vpop (erf)  }
0x282: {  	[tilespmem:s30+$0x60] =	vst v55;
	v56 =	vpop (erf)  }
0x283: {  	[tilespmem:s30+$0x70] =	vst v56;
	v57 =	vpop (erf)  }
0x284: {  	[tilespmem:s30+$0x80] =	vst v57;
	v58 =	vpop (erf)  }
0x285: {  	[tilespmem:s30+$0x90] =	vst v58;
	v59 =	vpop (erf)  }
0x286: {  	[tilespmem:s30+$0xA0] =	vst v59;
	v60 =	vpop (erf)  }
0x287: {  	[tilespmem:s30+$0xB0] =	vst v60;
	v61 =	vpop (erf)  }
0x288: {  	[tilespmem:s30+$0xC0] =	vst v61;
	v62 =	vpop (erf)  }
0x289: {  	[tilespmem:s30+$0xD0] =	vst v62;
	v63 =	vpop (erf)  }
0x28a: {  	[tilespmem:s30+$0xE0] =	vst v63  }
0x28b: {  	[hbm4b:s8+s3] =	stream.linear.scatter [tilespmem:s19], [sflag:$0x8], $0x2000, $0x38;
	[tilespmem:$0x10200] =	vst v63  }
0x28c: {  	_ =	swait.ge [sflag:s24], $0x4000  }
0x28d: {  	[sflag:s24] =	ssyncset.done $0x0  }
0x28e: {  	[sflag:s24] =	ssyncadd.s32 $0xFFFFC000  }
0x28f: {  	_ =	swait.ge [sflag:s25], $0x5000  }
0x290: {  	[sflag:s25] =	ssyncset.done $0x0  }
0x291: {  	s29 =	sadd.s32 $0x1, s29;
	[sflag:s25] =	ssyncadd.s32 $0xFFFFB000  }
0x292: {  	p0 =	sne.s32 s29, s9;
	_ =	swait.ge [sflag:s26], $0x5000  }
.Ltmp4:
0x293: {  	[sflag:s26] =	ssyncset.done $0x0;
	(pc) =	sbr.rel @p0 .LBB2_1-.Ltmp4, $4  }
0x294: {  	[sflag:s26] =	ssyncadd.s32 $0xFFFFB000  }
0x295: {  	_ =	swait.ge [sflag:s28], $0x2000  }
0x296: {  	[sflag:s28] =	ssyncset.done $0x0  }
0x297: {  	[sflag:s28] =	ssyncadd.s32 $0xFFFFE000  }
0x298: {  	_ =	sfence.sel $0x180000  }
0x299: {  	[bflag:$0x0] =	sbarrier.arrive $0xFFFF  }
0x29a: {  	_ =	strace $0x90000047  }
0x29b: {  	[bflag:$0x2] =	sbarrier.arrive $0xFFFF  }
0x29c: {  	p0 =	sne.s32 s1, $0x0;
	s0 =	rddreg [dreg:$0x3]  }
0x29d: {  	s0 =	sadd.s32 @!p0 $0x100000, s0  }
0x29e: {  	[sflag:s0] =	ssyncadd.tile.s32 @!p0 $0x1;
	_ =	shalt  }
.Lfunc_end2:
_tile_overlayer_lowered:
.L_overlay_start_2:
0x29f: {  	(tag) =	ssettag $0x2  }
0x2a0: {  	s0 =	rddreg [dreg:$0x0];
	s2 =	stileid.u32  }
0x2a1: {  	s1 =	rddreg [dreg:$0x1];
	p0 =	sne.s32 s2, $0x0  }
0x2a2: {  	s3 =	rddreg [dreg:$0x2];
	[bflag:$0x3] =	sbarrier.arrive $0xFFFF;
	s2 =	simm.s32 @!p0 $0x1C09  }
0x2a3: {  	[timem:s3], [sflag:s2] =	dma.local @!p0 [hbm:s0], s1  }
0x2a4: {  	s0 =	simm.s32 @!p0 $0x9  }
0x2a5: {  	_ =	swait.ge @!p0 [sflag:s0], s1  }
0x2a6: {  	s1 =	ssub.s32 @!p0 $0x0, s1;
	[sflag:s0] =	ssyncset.done @!p0 $0x0  }
0x2a7: {  	[sflag:s0] =	ssyncadd.s32 @!p0 s1  }
0x2a8: {  	[bflag:$0x3] =	sbarrier.arrive $0xFFFF  }
0x2a9: {  	_ =	shalt  }

</sc_bundles>
